<compile_context>
chip_gen: v7x
topology: tpu7x:2x2x1
jax: 0.10.2.dev20260603
libtpu: 0.0.44.dev20260713+nightly
codegen_flags: <defaults>
</compile_context>

<pallas_src>
import dataclasses
import math

import jax
import jax.numpy as jnp
import numpy as np
from jax import lax
from jax.experimental import pallas as pl
from jax.experimental.pallas import tpu as pltpu
from jax.experimental.pallas import tpu_sc as plsc

FEAT = 128
N_ROWS = 1000000
BATCH = 1024
KP1 = 512
NCE_T = 0.07
EPS = 1e-7

NC, NS = 2, 16
NW = NC * NS
TOTAL = BATCH * KP1
PER_W = TOTAL // NW
CHUNK = 128
CPW = PER_W // CHUNK
BPW = BATCH // NW
CPB = KP1 // CHUNK


def _sc_gather_dot(memory_v1, memory_v2, flat_idx, f_t, f_s):
    mesh = plsc.VectorSubcoreMesh(core_axis_name="c", subcore_axis_name="s")
    out = jax.ShapeDtypeStruct((TOTAL * 16,), jnp.float32)

    def body(m1_hbm, m2_hbm, idx_hbm, ft_hbm, fs_hbm, da_hbm, db_hbm,
             idx_v, ft_v, fs_v, r1, r2, dv1a, dv1b, dv2a, dv2b,
             g1a, g1b, g2a, g2b, s1a, s1b, s2a, s2b):
        dv1 = (dv1a, dv1b)
        dv2 = (dv2a, dv2b)
        wid = lax.axis_index("s") * NC + lax.axis_index("c")
        base = wid * PER_W
        gsem1 = (g1a, g1b)
        gsem2 = (g2a, g2b)
        ssem1 = (s1a, s1b)
        ssem2 = (s2a, s2b)

        pltpu.sync_copy(idx_hbm.at[pl.ds(base, PER_W)], idx_v)
        pltpu.sync_copy(ft_hbm.at[pl.ds(wid * BPW, BPW)], ft_v)
        pltpu.sync_copy(fs_hbm.at[pl.ds(wid * BPW, BPW)], fs_v)

        def start_gathers(ci, p):
            sl = pl.ds(ci * CHUNK, CHUNK)
            pltpu.async_copy(m1_hbm.at[idx_v.at[sl]], r1.at[p], gsem1[p])
            pltpu.async_copy(m2_hbm.at[idx_v.at[sl]], r2.at[p], gsem2[p])

        def process(ci, p):
            sl = pl.ds(ci * CHUNK, CHUNK)
            pltpu.make_async_copy(m1_hbm.at[idx_v.at[sl]], r1.at[p],
                                  gsem1[p]).wait()
            pltpu.make_async_copy(m2_hbm.at[idx_v.at[sl]], r2.at[p],
                                  gsem2[p]).wait()

            bl = ci // CPB
            ftc = [ft_v[bl, pl.ds(16 * c, 16)] for c in range(8)]
            fsc = [fs_v[bl, pl.ds(16 * c, 16)] for c in range(8)]
            r1p, r2p = r1.at[p], r2.at[p]
            dv1p, dv2p = dv1[p], dv2[p]

            @pl.loop(0, CHUNK)
            def _(j):
                a1 = r1p[j, pl.ds(0, 16)] * ftc[0]
                a2 = r2p[j, pl.ds(0, 16)] * fsc[0]
                for c in range(1, 8):
                    a1 = a1 + r1p[j, pl.ds(16 * c, 16)] * ftc[c]
                    a2 = a2 + r2p[j, pl.ds(16 * c, 16)] * fsc[c]
                dv1p[pl.ds(j * 16, 16)] = a1
                dv2p[pl.ds(j * 16, 16)] = a2

            gsl = pl.ds((base + ci * CHUNK) * 16, CHUNK * 16)

            @pl.when(ci >= 2)
            def _():
                pltpu.make_async_copy(dv1p, da_hbm.at[gsl], ssem1[p]).wait()
                pltpu.make_async_copy(dv2p, db_hbm.at[gsl], ssem2[p]).wait()

            pltpu.async_copy(dv1p, da_hbm.at[gsl], ssem1[p])
            pltpu.async_copy(dv2p, db_hbm.at[gsl], ssem2[p])

            @pl.when(ci + 2 < CPW)
            def _():
                start_gathers(ci + 2, p)

        start_gathers(0, 0)
        start_gathers(1, 1)

        @pl.loop(0, CPW, step=2)
        def _(i):
            process(i, 0)
            process(i + 1, 1)

        gsl0 = pl.ds(base * 16, CHUNK * 16)
        for p in range(2):
            pltpu.make_async_copy(dv1[p], da_hbm.at[gsl0], ssem1[p]).wait()
            pltpu.make_async_copy(dv2[p], db_hbm.at[gsl0], ssem2[p]).wait()

    cp = pltpu.CompilerParams()
    if "needs_layout_passes" in pltpu.CompilerParams.__dataclass_fields__:
        cp = dataclasses.replace(cp, needs_layout_passes=False)
    k = pl.kernel(
        body,
        out_type=(out, out),
        mesh=mesh,
        compiler_params=cp,
        scratch_types=[
            pltpu.VMEM((PER_W,), jnp.int32),
            pltpu.VMEM((BPW, FEAT), jnp.float32),
            pltpu.VMEM((BPW, FEAT), jnp.float32),
            pltpu.VMEM((2, CHUNK, FEAT), jnp.float32),
            pltpu.VMEM((2, CHUNK, FEAT), jnp.float32),
            pltpu.VMEM((CHUNK * 16,), jnp.float32),
            pltpu.VMEM((CHUNK * 16,), jnp.float32),
            pltpu.VMEM((CHUNK * 16,), jnp.float32),
            pltpu.VMEM((CHUNK * 16,), jnp.float32),
        ] + [pltpu.SemaphoreType.DMA] * 8,
    )
    return k(memory_v1, memory_v2, flat_idx, f_t, f_s)


def _tc_tail(pa, pb):
    xa = pa.reshape(TOTAL // 8, 128)
    xb = pb.reshape(TOTAL // 8, 128)
    blk = 8192
    nblk = TOTAL // 8 // blk
    zscale = float(N_ROWS) / float(TOTAL)
    mpn = (KP1 - 1) / N_ROWS
    c = mpn + EPS
    log_mpn = math.log(mpn)
    nall = blk * 8
    npos = blk // 64
    ngarb = blk * 120

    li = np.arange(128)[:, None]
    lj = np.arange(128)[None, :]
    seg_mat = jnp.asarray((lj == (li // 16) * 16) * 1.0, jnp.float32)

    def body(xa_ref, xb_ref, m_ref, out_ref, acc):
        ph = pl.program_id(0)
        rows = lax.broadcasted_iota(jnp.int32, (blk, 128), 0)
        lanes = lax.broadcasted_iota(jnp.int32, (blk, 128), 1)
        seg = lanes % 16 == 0
        posm = (lanes == 0) & (rows % 64 == 0)
        dn = (((1,), (0,)), ((), ()))

        invt = jnp.float32(1.0 / NCE_T)
        da = lax.dot_general(xa_ref[...], m_ref[...], dn,
                             preferred_element_type=jnp.float32) * invt
        db = lax.dot_general(xb_ref[...], m_ref[...], dn,
                             preferred_element_type=jnp.float32) * invt
        ea = jnp.exp(da)
        eb = jnp.exp(db)

        @pl.when((ph == 0) & (pl.program_id(1) == 0))
        def _():
            acc[0] = 0.0
            acc[1] = 0.0
            out_ref[...] = jnp.zeros((1, 1), jnp.float32)

        @pl.when(ph == 0)
        def _():
            acc[0] += jnp.sum(ea) - float(ngarb)
            acc[1] += jnp.sum(eb) - float(ngarb)

        @pl.when(ph == 1)
        def _():
            zero = jnp.float32(0.0)
            ninf = jnp.float32(-jnp.inf)

            def side(d, e, z):
                o = e / z
                lgt = jnp.log(o + c)
                lg0 = log_mpn - lgt
                lg1 = jnp.where(o == 0.0, ninf, d - jnp.log(z)) - lgt
                return (jnp.sum(jnp.where(posm, lg1, zero))
                        + jnp.sum(jnp.where(seg, lg0, zero))
                        - jnp.sum(jnp.where(posm, lg0, zero)))

            la = side(da, ea, acc[0] * zscale)
            lb = side(db, eb, acc[1] * zscale)
            out_ref[...] += (-(la + lb) / BATCH).reshape(1, 1)

    return pl.pallas_call(
        body,
        grid=(2, nblk),
        in_specs=[pl.BlockSpec((blk, 128), lambda ph, j: (j, 0)),
                  pl.BlockSpec((blk, 128), lambda ph, j: (j, 0)),
                  pl.BlockSpec((128, 128), lambda ph, j: (0, 0))],
        out_specs=pl.BlockSpec((1, 1), lambda ph, j: (0, 0)),
        out_shape=jax.ShapeDtypeStruct((1, 1), jnp.float32),
        scratch_shapes=[pltpu.SMEM((2,), jnp.float32)],
    )(xa, xb, seg_mat)


def kernel(f_s, f_t, idx, contrast_idx, memory_v1, memory_v2):
    flat_idx = contrast_idx.reshape(-1)
    pa, pb = _sc_gather_dot(memory_v1, memory_v2, flat_idx, f_t, f_s)
    loss = _tc_tail(pa, pb)
    return loss.reshape(1)

# --- scband reference (transcript-rebuilt; emitter-appended) ---
"""Pipeline reference for scband-nceloss-7937099563660 (READ-ONLY COPY).

The authoritative reference and input builder live on the scoring server;
editing this copy changes nothing except your own understanding.
"""

import jax, jax.numpy as jnp
import numpy as np
import math

FEAT_DIM = 128
N_DATA = 1000000
NCE_K = 511
NCE_T = 0.07
NCE_M = 0.5
BATCH = 1024
EPS = 1e-7


def _nce_criterion(x, n_data):
    # Faithful port of CRD NCECriterion.forward
    bsz = x.shape[0]
    m = x.shape[1] - 1
    Pn = 1.0 / float(n_data)
    P_pos = x[:, 0]                      # [bsz, 1]
    log_D1 = jnp.log(P_pos / (P_pos + m * Pn + EPS))
    P_neg = x[:, 1:]                     # [bsz, K, 1]
    log_D0 = jnp.log((m * Pn) / (P_neg + m * Pn + EPS))
    loss = -(jnp.sum(log_D1, axis=0) + jnp.sum(log_D0.reshape(-1, 1), axis=0)) / bsz
    return loss                           # shape (1,)


def setup_inputs(seed: int = 0) -> dict:
    key = jax.random.key(seed)
    k1, k2, k3, k4, k5, k6 = jax.random.split(key, 6)
    f_s = jax.random.normal(k1, (BATCH, FEAT_DIM), dtype=jnp.float32)
    f_t = jax.random.normal(k2, (BATCH, FEAT_DIM), dtype=jnp.float32)
    idx = jax.random.randint(k3, (BATCH,), 0, N_DATA, dtype=jnp.int32)
    contrast_idx = jax.random.randint(k4, (BATCH, NCE_K + 1), 0, N_DATA, dtype=jnp.int32)
    # NCEAverage memory buffers: uniform in [-stdv, stdv], stdv = 1/sqrt(feat_dim/3)
    stdv = 1.0 / math.sqrt(FEAT_DIM / 3.0)
    memory_v1 = jax.random.uniform(k5, (N_DATA, FEAT_DIM), dtype=jnp.float32, minval=-stdv, maxval=stdv)
    memory_v2 = jax.random.uniform(k6, (N_DATA, FEAT_DIM), dtype=jnp.float32, minval=-stdv, maxval=stdv)
    return {"f_s": f_s, "f_t": f_t, "idx": idx, "contrast_idx": contrast_idx,
            "memory_v1": memory_v1, "memory_v2": memory_v2}


def reference(f_s, f_t, idx, contrast_idx, memory_v1, memory_v2):
    # NCEAverage.forward(v1=f_s, v2=f_t, y=idx, idx=contrast_idx)
    bsz, inputSize = f_s.shape
    outputSize = memory_v1.shape[0]
    Kp1 = contrast_idx.shape[1]
    flat_idx = contrast_idx.reshape(-1)
    # gather rows from memory bank v1, bmm with f_t
    weight_v1 = jnp.take(memory_v1, flat_idx, axis=0).reshape(bsz, Kp1, inputSize)
    out_v2 = jnp.exp(jnp.einsum('bki,bi->bk', weight_v1, f_t)[:, :, None] / NCE_T)
    # gather rows from memory bank v2, bmm with f_s
    weight_v2 = jnp.take(memory_v2, flat_idx, axis=0).reshape(bsz, Kp1, inputSize)
    out_v1 = jnp.exp(jnp.einsum('bki,bi->bk', weight_v2, f_s)[:, :, None] / NCE_T)
    # first call: Z set from batch statistic, treated as a constant (.item() in torch)
    Z_v1 = jax.lax.stop_gradient(jnp.mean(out_v1) * outputSize)
    Z_v2 = jax.lax.stop_gradient(jnp.mean(out_v2) * outputSize)
    out_v1 = out_v1 / Z_v1
    out_v2 = out_v2 / Z_v2
    # NCELoss.forward: s_loss on out_s (=out_v1), t_loss on out_t (=out_v2)
    s_loss = _nce_criterion(out_v1, N_DATA)
    t_loss = _nce_criterion(out_v2, N_DATA)
    return s_loss + t_loss

if __name__ == "__main__":
    import jax
    _d = setup_inputs()
    print(jax.jit(kernel)(*tuple(_d.values())))

</pallas_src>

<mosaic_0001>
#map = affine_map<(d0, d1) -> (0, 0)>
#map1 = affine_map<(d0, d1) -> (0)>
module attributes {stable_mosaic.version = 14 : i64} {
  func.func @body(%arg0: i32, %arg1: i32, %arg2: memref<1000000x128xf32, #tpu.memory_space<hbm>>, %arg3: memref<1000000x128xf32, #tpu.memory_space<hbm>>, %arg4: memref<524288xi32, #tpu.memory_space<hbm>>, %arg5: memref<1024x128xf32, #tpu.memory_space<hbm>>, %arg6: memref<1024x128xf32, #tpu.memory_space<hbm>>, %arg7: memref<8388608xf32, #tpu.memory_space<hbm>>, %arg8: memref<8388608xf32, #tpu.memory_space<hbm>>, %arg9: memref<16384xi32, #tpu.memory_space<vmem>>, %arg10: memref<32x128xf32, #tpu.memory_space<vmem>>, %arg11: memref<32x128xf32, #tpu.memory_space<vmem>>, %arg12: memref<2x128x128xf32, #tpu.memory_space<vmem>>, %arg13: memref<2x128x128xf32, #tpu.memory_space<vmem>>, %arg14: memref<2048xf32, #tpu.memory_space<vmem>>, %arg15: memref<2048xf32, #tpu.memory_space<vmem>>, %arg16: memref<2048xf32, #tpu.memory_space<vmem>>, %arg17: memref<2048xf32, #tpu.memory_space<vmem>>, %arg18: memref<!tpu.dma_semaphore, #tpu.memory_space<semaphore_mem>>, %arg19: memref<!tpu.dma_semaphore, #tpu.memory_space<semaphore_mem>>, %arg20: memref<!tpu.dma_semaphore, #tpu.memory_space<semaphore_mem>>, %arg21: memref<!tpu.dma_semaphore, #tpu.memory_space<semaphore_mem>>, %arg22: memref<!tpu.dma_semaphore, #tpu.memory_space<semaphore_mem>>, %arg23: memref<!tpu.dma_semaphore, #tpu.memory_space<semaphore_mem>>, %arg24: memref<!tpu.dma_semaphore, #tpu.memory_space<semaphore_mem>>, %arg25: memref<!tpu.dma_semaphore, #tpu.memory_space<semaphore_mem>>) attributes {dimension_semantics = [#tpu.dimension_semantics<core_parallel>, #tpu.dimension_semantics<subcore_parallel>], iteration_bounds = array<i64: 2, 16>, scalar_prefetch = 0 : i64, scratch_operands = 17 : i64, tpu.core_type = #tpu.core_type<sc_vector_subcore>, window_params = [{transform_indices = #map}, {transform_indices = #map}, {transform_indices = #map1}, {transform_indices = #map}, {transform_indices = #map}, {transform_indices = #map1}, {transform_indices = #map1}]} {
    %mul3A = arith.constant 2 : i32
    %mul3A_0 = arith.muli %arg1, %mul3A : i32
    %add3A = arith.addi %mul3A_0, %arg0 : i32
    %mul3A_1 = arith.constant 16384 : i32
    %mul3A_2 = arith.muli %add3A, %mul3A_1 : i32
    "tpu.region"() ({
      %run_scoped3A = tpu.sem_alloc : memref<!tpu.dma_semaphore, #tpu.memory_space<semaphore_mem>>
      %dma_start3A_59 = tpu.memref_slice %arg4[%mul3A_2] : memref<524288xi32, #tpu.memory_space<hbm>> -> memref<16384xi32, #tpu.memory_space<hbm>>
      %dma_start3A_60 = tpu.memref_slice %arg4[%mul3A_2] : memref<524288xi32, #tpu.memory_space<hbm>> -> memref<16384xi32, #tpu.memory_space<hbm>>
      tpu.enqueue_dma source(%dma_start3A_60 : memref<16384xi32, #tpu.memory_space<hbm>>) target(%arg9 : memref<16384xi32, #tpu.memory_space<vmem>>) target_semaphore(%run_scoped3A : memref<!tpu.dma_semaphore, #tpu.memory_space<semaphore_mem>>)
      %dma_wait3A_61 = tpu.memref_slice %arg4[%mul3A_2] : memref<524288xi32, #tpu.memory_space<hbm>> -> memref<16384xi32, #tpu.memory_space<hbm>>
      %dma_wait3A_62 = tpu.memref_slice %arg4[%mul3A_2] : memref<524288xi32, #tpu.memory_space<hbm>> -> memref<16384xi32, #tpu.memory_space<hbm>>
      tpu.wait_dma2 semaphore(%run_scoped3A : memref<!tpu.dma_semaphore, #tpu.memory_space<semaphore_mem>>) src(%dma_wait3A_62 : memref<16384xi32, #tpu.memory_space<hbm>>) dst(%arg9 : memref<16384xi32, #tpu.memory_space<vmem>>)
      tpu.yield
    }) : () -> ()
    %mul3A_3 = arith.constant 32 : i32
    %mul3A_4 = arith.muli %add3A, %mul3A_3 : i32
    "tpu.region"() ({
      %run_scoped3A = tpu.sem_alloc : memref<!tpu.dma_semaphore, #tpu.memory_space<semaphore_mem>>
      %dma_start3A_59 = arith.constant 0 : i32
      %dma_start3A_60 = tpu.memref_slice %arg5[%mul3A_4, %dma_start3A_59] : memref<1024x128xf32, #tpu.memory_space<hbm>> -> memref<32x128xf32, #tpu.memory_space<hbm>>
      %dma_start3A_61 = arith.constant 0 : i32
      %dma_start3A_62 = tpu.memref_slice %arg5[%mul3A_4, %dma_start3A_61] : memref<1024x128xf32, #tpu.memory_space<hbm>> -> memref<32x128xf32, #tpu.memory_space<hbm>>
      tpu.enqueue_dma source(%dma_start3A_62 : memref<32x128xf32, #tpu.memory_space<hbm>>) target(%arg10 : memref<32x128xf32, #tpu.memory_space<vmem>>) target_semaphore(%run_scoped3A : memref<!tpu.dma_semaphore, #tpu.memory_space<semaphore_mem>>)
      %dma_wait3A_63 = arith.constant 0 : i32
      %dma_wait3A_64 = tpu.memref_slice %arg5[%mul3A_4, %dma_wait3A_63] : memref<1024x128xf32, #tpu.memory_space<hbm>> -> memref<32x128xf32, #tpu.memory_space<hbm>>
      %dma_wait3A_65 = arith.constant 0 : i32
      %dma_wait3A_66 = tpu.memref_slice %arg5[%mul3A_4, %dma_wait3A_65] : memref<1024x128xf32, #tpu.memory_space<hbm>> -> memref<32x128xf32, #tpu.memory_space<hbm>>
      tpu.wait_dma2 semaphore(%run_scoped3A : memref<!tpu.dma_semaphore, #tpu.memory_space<semaphore_mem>>) src(%dma_wait3A_66 : memref<32x128xf32, #tpu.memory_space<hbm>>) dst(%arg10 : memref<32x128xf32, #tpu.memory_space<vmem>>)
      tpu.yield
    }) : () -> ()
    %mul3A_5 = arith.constant 32 : i32
    %mul3A_6 = arith.muli %add3A, %mul3A_5 : i32
    "tpu.region"() ({
      %run_scoped3A = tpu.sem_alloc : memref<!tpu.dma_semaphore, #tpu.memory_space<semaphore_mem>>
      %dma_start3A_59 = arith.constant 0 : i32
      %dma_start3A_60 = tpu.memref_slice %arg6[%mul3A_6, %dma_start3A_59] : memref<1024x128xf32, #tpu.memory_space<hbm>> -> memref<32x128xf32, #tpu.memory_space<hbm>>
      %dma_start3A_61 = arith.constant 0 : i32
      %dma_start3A_62 = tpu.memref_slice %arg6[%mul3A_6, %dma_start3A_61] : memref<1024x128xf32, #tpu.memory_space<hbm>> -> memref<32x128xf32, #tpu.memory_space<hbm>>
      tpu.enqueue_dma source(%dma_start3A_62 : memref<32x128xf32, #tpu.memory_space<hbm>>) target(%arg11 : memref<32x128xf32, #tpu.memory_space<vmem>>) target_semaphore(%run_scoped3A : memref<!tpu.dma_semaphore, #tpu.memory_space<semaphore_mem>>)
      %dma_wait3A_63 = arith.constant 0 : i32
      %dma_wait3A_64 = tpu.memref_slice %arg6[%mul3A_6, %dma_wait3A_63] : memref<1024x128xf32, #tpu.memory_space<hbm>> -> memref<32x128xf32, #tpu.memory_space<hbm>>
      %dma_wait3A_65 = arith.constant 0 : i32
      %dma_wait3A_66 = tpu.memref_slice %arg6[%mul3A_6, %dma_wait3A_65] : memref<1024x128xf32, #tpu.memory_space<hbm>> -> memref<32x128xf32, #tpu.memory_space<hbm>>
      tpu.wait_dma2 semaphore(%run_scoped3A : memref<!tpu.dma_semaphore, #tpu.memory_space<semaphore_mem>>) src(%dma_wait3A_66 : memref<32x128xf32, #tpu.memory_space<hbm>>) dst(%arg11 : memref<32x128xf32, #tpu.memory_space<vmem>>)
      tpu.yield
    }) : () -> ()
    %dma_start3A = arith.constant 0 : i32
    %dma_start3A_7 = arith.constant 0 : i32
    %dma_start3A_8 = arith.constant 0 : i32
    %dma_start3A_9 = tpu.memref_slice %arg12[%dma_start3A, %dma_start3A_7, %dma_start3A_8] : memref<2x128x128xf32, #tpu.memory_space<vmem>> -> memref<1x128x128xf32, #tpu.memory_space<vmem>>
    %dma_start3A_10 = tpu.memref_squeeze %dma_start3A_9 : memref<1x128x128xf32, #tpu.memory_space<vmem>> -> memref<128x128xf32, #tpu.memory_space<vmem>>
    %dma_start3A_11 = arith.constant 0 : i32
    %dma_start3A_12 = tpu.memref_slice %arg9[%dma_start3A_11] : memref<16384xi32, #tpu.memory_space<vmem>> -> memref<128xi32, #tpu.memory_space<vmem>>
    %dma_start3A_13 = arith.constant 0 : i32
    %dma_start3A_14 = arith.constant 0 : i32
    %dma_start3A_15 = tpu.memref_slice %arg2[%dma_start3A_13, %dma_start3A_14] : memref<1000000x128xf32, #tpu.memory_space<hbm>> -> memref<1000000x128xf32, #tpu.memory_space<hbm>>
    tpu.enqueue_indirect_dma source(%dma_start3A_15 : memref<1000000x128xf32, #tpu.memory_space<hbm>>) target(%dma_start3A_10 : memref<128x128xf32, #tpu.memory_space<vmem>>) offsets(%dma_start3A_12 : memref<128xi32, #tpu.memory_space<vmem>>) semaphore(%arg18 : memref<!tpu.dma_semaphore, #tpu.memory_space<semaphore_mem>>)
    %dma_start3A_16 = arith.constant 0 : i32
    %dma_start3A_17 = arith.constant 0 : i32
    %dma_start3A_18 = arith.constant 0 : i32
    %dma_start3A_19 = tpu.memref_slice %arg13[%dma_start3A_16, %dma_start3A_17, %dma_start3A_18] : memref<2x128x128xf32, #tpu.memory_space<vmem>> -> memref<1x128x128xf32, #tpu.memory_space<vmem>>
    %dma_start3A_20 = tpu.memref_squeeze %dma_start3A_19 : memref<1x128x128xf32, #tpu.memory_space<vmem>> -> memref<128x128xf32, #tpu.memory_space<vmem>>
    %dma_start3A_21 = arith.constant 0 : i32
    %dma_start3A_22 = tpu.memref_slice %arg9[%dma_start3A_21] : memref<16384xi32, #tpu.memory_space<vmem>> -> memref<128xi32, #tpu.memory_space<vmem>>
    %dma_start3A_23 = arith.constant 0 : i32
    %dma_start3A_24 = arith.constant 0 : i32
    %dma_start3A_25 = tpu.memref_slice %arg3[%dma_start3A_23, %dma_start3A_24] : memref<1000000x128xf32, #tpu.memory_space<hbm>> -> memref<1000000x128xf32, #tpu.memory_space<hbm>>
    tpu.enqueue_indirect_dma source(%dma_start3A_25 : memref<1000000x128xf32, #tpu.memory_space<hbm>>) target(%dma_start3A_20 : memref<128x128xf32, #tpu.memory_space<vmem>>) offsets(%dma_start3A_22 : memref<128xi32, #tpu.memory_space<vmem>>) semaphore(%arg20 : memref<!tpu.dma_semaphore, #tpu.memory_space<semaphore_mem>>)
    %dma_start3A_26 = arith.constant 1 : i32
    %dma_start3A_27 = arith.constant 0 : i32
    %dma_start3A_28 = arith.constant 0 : i32
    %dma_start3A_29 = tpu.memref_slice %arg12[%dma_start3A_26, %dma_start3A_27, %dma_start3A_28] : memref<2x128x128xf32, #tpu.memory_space<vmem>> -> memref<1x128x128xf32, #tpu.memory_space<vmem>>
    %dma_start3A_30 = tpu.memref_squeeze %dma_start3A_29 : memref<1x128x128xf32, #tpu.memory_space<vmem>> -> memref<128x128xf32, #tpu.memory_space<vmem>>
    %dma_start3A_31 = arith.constant 128 : i32
    %dma_start3A_32 = tpu.memref_slice %arg9[%dma_start3A_31] : memref<16384xi32, #tpu.memory_space<vmem>> -> memref<128xi32, #tpu.memory_space<vmem>>
    %dma_start3A_33 = arith.constant 0 : i32
    %dma_start3A_34 = arith.constant 0 : i32
    %dma_start3A_35 = tpu.memref_slice %arg2[%dma_start3A_33, %dma_start3A_34] : memref<1000000x128xf32, #tpu.memory_space<hbm>> -> memref<1000000x128xf32, #tpu.memory_space<hbm>>
    tpu.enqueue_indirect_dma source(%dma_start3A_35 : memref<1000000x128xf32, #tpu.memory_space<hbm>>) target(%dma_start3A_30 : memref<128x128xf32, #tpu.memory_space<vmem>>) offsets(%dma_start3A_32 : memref<128xi32, #tpu.memory_space<vmem>>) semaphore(%arg19 : memref<!tpu.dma_semaphore, #tpu.memory_space<semaphore_mem>>)
    %dma_start3A_36 = arith.constant 1 : i32
    %dma_start3A_37 = arith.constant 0 : i32
    %dma_start3A_38 = arith.constant 0 : i32
    %dma_start3A_39 = tpu.memref_slice %arg13[%dma_start3A_36, %dma_start3A_37, %dma_start3A_38] : memref<2x128x128xf32, #tpu.memory_space<vmem>> -> memref<1x128x128xf32, #tpu.memory_space<vmem>>
    %dma_start3A_40 = tpu.memref_squeeze %dma_start3A_39 : memref<1x128x128xf32, #tpu.memory_space<vmem>> -> memref<128x128xf32, #tpu.memory_space<vmem>>
    %dma_start3A_41 = arith.constant 128 : i32
    %dma_start3A_42 = tpu.memref_slice %arg9[%dma_start3A_41] : memref<16384xi32, #tpu.memory_space<vmem>> -> memref<128xi32, #tpu.memory_space<vmem>>
    %dma_start3A_43 = arith.constant 0 : i32
    %dma_start3A_44 = arith.constant 0 : i32
    %dma_start3A_45 = tpu.memref_slice %arg3[%dma_start3A_43, %dma_start3A_44] : memref<1000000x128xf32, #tpu.memory_space<hbm>> -> memref<1000000x128xf32, #tpu.memory_space<hbm>>
    tpu.enqueue_indirect_dma source(%dma_start3A_45 : memref<1000000x128xf32, #tpu.memory_space<hbm>>) target(%dma_start3A_40 : memref<128x128xf32, #tpu.memory_space<vmem>>) offsets(%dma_start3A_42 : memref<128xi32, #tpu.memory_space<vmem>>) semaphore(%arg21 : memref<!tpu.dma_semaphore, #tpu.memory_space<semaphore_mem>>)
    %scan3A = arith.constant 0 : i32
    %scan3A_46 = arith.constant 64 : i32
    %scan3A_47 = arith.addi %scan3A, %scan3A_46 : i32
    %scan3A_48 = arith.constant 1 : i32
    scf.for %scan3A_59 = %scan3A to %scan3A_47 step %scan3A_48  : i32 {
      %mul3A_60 = arith.constant 2 : i32
      %mul3A_61 = arith.muli %scan3A_59, %mul3A_60 : i32
      %add3A_62 = arith.constant 0 : i32
      %add3A_63 = arith.addi %add3A_62, %mul3A_61 : i32
      %mul3A_64 = arith.constant 128 : i32
      %mul3A_65 = arith.muli %add3A_63, %mul3A_64 : i32
      %dma_wait3A_66 = arith.constant 0 : i32
      %dma_wait3A_67 = arith.constant 0 : i32
      %dma_wait3A_68 = arith.constant 0 : i32
      %dma_wait3A_69 = tpu.memref_slice %arg12[%dma_wait3A_66, %dma_wait3A_67, %dma_wait3A_68] : memref<2x128x128xf32, #tpu.memory_space<vmem>> -> memref<1x128x128xf32, #tpu.memory_space<vmem>>
      %dma_wait3A_70 = tpu.memref_squeeze %dma_wait3A_69 : memref<1x128x128xf32, #tpu.memory_space<vmem>> -> memref<128x128xf32, #tpu.memory_space<vmem>>
      %dma_wait3A_71 = tpu.memref_slice %arg9[%mul3A_65] : memref<16384xi32, #tpu.memory_space<vmem>> -> memref<128xi32, #tpu.memory_space<vmem>>
      %dma_wait3A_72 = arith.constant 0 : i32
      %dma_wait3A_73 = arith.constant 0 : i32
      %dma_wait3A_74 = tpu.memref_slice %arg2[%dma_wait3A_72, %dma_wait3A_73] : memref<1000000x128xf32, #tpu.memory_space<hbm>> -> memref<1000000x128xf32, #tpu.memory_space<hbm>>
      tpu.wait_indirect_dma semaphore(%arg18 : memref<!tpu.dma_semaphore, #tpu.memory_space<semaphore_mem>>) src(%dma_wait3A_74 : memref<1000000x128xf32, #tpu.memory_space<hbm>>) dst(%dma_wait3A_70 : memref<128x128xf32, #tpu.memory_space<vmem>>)
      %dma_wait3A_75 = arith.constant 0 : i32
      %dma_wait3A_76 = arith.constant 0 : i32
      %dma_wait3A_77 = arith.constant 0 : i32
      %dma_wait3A_78 = tpu.memref_slice %arg13[%dma_wait3A_75, %dma_wait3A_76, %dma_wait3A_77] : memref<2x128x128xf32, #tpu.memory_space<vmem>> -> memref<1x128x128xf32, #tpu.memory_space<vmem>>
      %dma_wait3A_79 = tpu.memref_squeeze %dma_wait3A_78 : memref<1x128x128xf32, #tpu.memory_space<vmem>> -> memref<128x128xf32, #tpu.memory_space<vmem>>
      %dma_wait3A_80 = tpu.memref_slice %arg9[%mul3A_65] : memref<16384xi32, #tpu.memory_space<vmem>> -> memref<128xi32, #tpu.memory_space<vmem>>
      %dma_wait3A_81 = arith.constant 0 : i32
      %dma_wait3A_82 = arith.constant 0 : i32
      %dma_wait3A_83 = tpu.memref_slice %arg3[%dma_wait3A_81, %dma_wait3A_82] : memref<1000000x128xf32, #tpu.memory_space<hbm>> -> memref<1000000x128xf32, #tpu.memory_space<hbm>>
      tpu.wait_indirect_dma semaphore(%arg20 : memref<!tpu.dma_semaphore, #tpu.memory_space<semaphore_mem>>) src(%dma_wait3A_83 : memref<1000000x128xf32, #tpu.memory_space<hbm>>) dst(%dma_wait3A_79 : memref<128x128xf32, #tpu.memory_space<vmem>>)
      %jit3A = arith.constant 4 : i32
      %div3A = arith.divsi %add3A_63, %jit3A : i32
      %sign3A = arith.constant 0 : i32
      %sign3A_84 = arith.cmpi sgt, %add3A_63, %sign3A : i32
      %sign3A_85 = arith.extui %sign3A_84 : i1 to i32
      %sign3A_86 = arith.constant 0 : i32
      %sign3A_87 = arith.cmpi slt, %add3A_63, %sign3A_86 : i32
      %sign3A_88 = arith.extui %sign3A_87 : i1 to i32
      %sign3A_89 = arith.subi %sign3A_85, %sign3A_88 : i32
      %sign3A_90 = arith.constant 0 : i32
      %sign3A_91 = arith.cmpi sgt, %jit3A, %sign3A_90 : i32
      %sign3A_92 = arith.extui %sign3A_91 : i1 to i32
      %sign3A_93 = arith.constant 0 : i32
      %sign3A_94 = arith.cmpi slt, %jit3A, %sign3A_93 : i32
      %sign3A_95 = arith.extui %sign3A_94 : i1 to i32
      %sign3A_96 = arith.subi %sign3A_92, %sign3A_95 : i32
      %ne3A = arith.cmpi ne, %sign3A_89, %sign3A_96 : i32
      %rem3A = arith.remsi %add3A_63, %jit3A : i32
      %ne3A_97 = arith.constant 0 : i32
      %ne3A_98 = arith.cmpi ne, %rem3A, %ne3A_97 : i32
      %and3A = arith.andi %ne3A, %ne3A_98 : i1
      %sub3A = arith.constant 1 : i32
      %sub3A_99 = arith.subi %div3A, %sub3A : i32
      %select_n3A = arith.select %and3A, %sub3A_99, %div3A : i32
      %get3A = arith.index_cast %select_n3A : i32 to index
      %get3A_100 = arith.constant 0 : index
      %get3A_101 = tpu.vector_load %arg10[%get3A, %get3A_100] {strides = array<i32>} : memref<32x128xf32, #tpu.memory_space<vmem>>, vector<16xf32>,
      %get3A_102 = arith.index_cast %select_n3A : i32 to index
      %get3A_103 = arith.constant 16 : index
      %get3A_104 = tpu.vector_load %arg10[%get3A_102, %get3A_103] {strides = array<i32>} : memref<32x128xf32, #tpu.memory_space<vmem>>, vector<16xf32>,
      %get3A_105 = arith.index_cast %select_n3A : i32 to index
      %get3A_106 = arith.constant 32 : index
      %get3A_107 = tpu.vector_load %arg10[%get3A_105, %get3A_106] {strides = array<i32>} : memref<32x128xf32, #tpu.memory_space<vmem>>, vector<16xf32>,
      %get3A_108 = arith.index_cast %select_n3A : i32 to index
      %get3A_109 = arith.constant 48 : index
      %get3A_110 = tpu.vector_load %arg10[%get3A_108, %get3A_109] {strides = array<i32>} : memref<32x128xf32, #tpu.memory_space<vmem>>, vector<16xf32>,
      %get3A_111 = arith.index_cast %select_n3A : i32 to index
      %get3A_112 = arith.constant 64 : index
      %get3A_113 = tpu.vector_load %arg10[%get3A_111, %get3A_112] {strides = array<i32>} : memref<32x128xf32, #tpu.memory_space<vmem>>, vector<16xf32>,
      %get3A_114 = arith.index_cast %select_n3A : i32 to index
      %get3A_115 = arith.constant 80 : index
      %get3A_116 = tpu.vector_load %arg10[%get3A_114, %get3A_115] {strides = array<i32>} : memref<32x128xf32, #tpu.memory_space<vmem>>, vector<16xf32>,
      %get3A_117 = arith.index_cast %select_n3A : i32 to index
      %get3A_118 = arith.constant 96 : index
      %get3A_119 = tpu.vector_load %arg10[%get3A_117, %get3A_118] {strides = array<i32>} : memref<32x128xf32, #tpu.memory_space<vmem>>, vector<16xf32>,
      %get3A_120 = arith.index_cast %select_n3A : i32 to index
      %get3A_121 = arith.constant 112 : index
      %get3A_122 = tpu.vector_load %arg10[%get3A_120, %get3A_121] {strides = array<i32>} : memref<32x128xf32, #tpu.memory_space<vmem>>, vector<16xf32>,
      %get3A_123 = arith.index_cast %select_n3A : i32 to index
      %get3A_124 = arith.constant 0 : index
      %get3A_125 = tpu.vector_load %arg11[%get3A_123, %get3A_124] {strides = array<i32>} : memref<32x128xf32, #tpu.memory_space<vmem>>, vector<16xf32>,
      %get3A_126 = arith.index_cast %select_n3A : i32 to index
      %get3A_127 = arith.constant 16 : index
      %get3A_128 = tpu.vector_load %arg11[%get3A_126, %get3A_127] {strides = array<i32>} : memref<32x128xf32, #tpu.memory_space<vmem>>, vector<16xf32>,
      %get3A_129 = arith.index_cast %select_n3A : i32 to index
      %get3A_130 = arith.constant 32 : index
      %get3A_131 = tpu.vector_load %arg11[%get3A_129, %get3A_130] {strides = array<i32>} : memref<32x128xf32, #tpu.memory_space<vmem>>, vector<16xf32>,
      %get3A_132 = arith.index_cast %select_n3A : i32 to index
      %get3A_133 = arith.constant 48 : index
      %get3A_134 = tpu.vector_load %arg11[%get3A_132, %get3A_133] {strides = array<i32>} : memref<32x128xf32, #tpu.memory_space<vmem>>, vector<16xf32>,
      %get3A_135 = arith.index_cast %select_n3A : i32 to index
      %get3A_136 = arith.constant 64 : index
      %get3A_137 = tpu.vector_load %arg11[%get3A_135, %get3A_136] {strides = array<i32>} : memref<32x128xf32, #tpu.memory_space<vmem>>, vector<16xf32>,
      %get3A_138 = arith.index_cast %select_n3A : i32 to index
      %get3A_139 = arith.constant 80 : index
      %get3A_140 = tpu.vector_load %arg11[%get3A_138, %get3A_139] {strides = array<i32>} : memref<32x128xf32, #tpu.memory_space<vmem>>, vector<16xf32>,
      %get3A_141 = arith.index_cast %select_n3A : i32 to index
      %get3A_142 = arith.constant 96 : index
      %get3A_143 = tpu.vector_load %arg11[%get3A_141, %get3A_142] {strides = array<i32>} : memref<32x128xf32, #tpu.memory_space<vmem>>, vector<16xf32>,
      %get3A_144 = arith.index_cast %select_n3A : i32 to index
      %get3A_145 = arith.constant 112 : index
      %get3A_146 = tpu.vector_load %arg11[%get3A_144, %get3A_145] {strides = array<i32>} : memref<32x128xf32, #tpu.memory_space<vmem>>, vector<16xf32>,
      %scan3A_147 = arith.constant 0 : i32
      %scan3A_148 = arith.constant 0 : i32
      %scan3A_149 = arith.constant 0 : i32
      %scan3A_150 = arith.constant 128 : i32
      %scan3A_151 = arith.addi %scan3A_149, %scan3A_150 : i32
      %scan3A_152 = arith.constant 1 : i32
      scf.for %scan3A_293 = %scan3A_149 to %scan3A_151 step %scan3A_152  : i32 {
        %mul3A_294 = arith.constant 1 : i32
        %mul3A_295 = arith.muli %scan3A_293, %mul3A_294 : i32
        %add3A_296 = arith.constant 0 : i32
        %add3A_297 = arith.addi %add3A_296, %mul3A_295 : i32
        %get3A_298 = arith.constant 0 : i32
        %get3A_299 = arith.constant 0 : i32
        %get3A_300 = tpu.memref_slice %arg12[%scan3A_147, %get3A_298, %get3A_299] : memref<2x128x128xf32, #tpu.memory_space<vmem>> -> memref<1x128x128xf32, #tpu.memory_space<vmem>>
        %get3A_301 = tpu.memref_squeeze %get3A_300 : memref<1x128x128xf32, #tpu.memory_space<vmem>> -> memref<128x128xf32, #tpu.memory_space<vmem>>
        %get3A_302 = arith.index_cast %add3A_297 : i32 to index
        %get3A_303 = arith.constant 0 : index
        %get3A_304 = tpu.vector_load %get3A_301[%get3A_302, %get3A_303] {strides = array<i32>} : memref<128x128xf32, #tpu.memory_space<vmem>>, vector<16xf32>,
        %mul3A_305 = arith.mulf %get3A_304, %get3A_101 : vector<16xf32>
        %get3A_306 = arith.constant 0 : i32
        %get3A_307 = arith.constant 0 : i32
        %get3A_308 = tpu.memref_slice %arg13[%scan3A_148, %get3A_306, %get3A_307] : memref<2x128x128xf32, #tpu.memory_space<vmem>> -> memref<1x128x128xf32, #tpu.memory_space<vmem>>
        %get3A_309 = tpu.memref_squeeze %get3A_308 : memref<1x128x128xf32, #tpu.memory_space<vmem>> -> memref<128x128xf32, #tpu.memory_space<vmem>>
        %get3A_310 = arith.index_cast %add3A_297 : i32 to index
        %get3A_311 = arith.constant 0 : index
        %get3A_312 = tpu.vector_load %get3A_309[%get3A_310, %get3A_311] {strides = array<i32>} : memref<128x128xf32, #tpu.memory_space<vmem>>, vector<16xf32>,
        %mul3A_313 = arith.mulf %get3A_312, %get3A_125 : vector<16xf32>
        %get3A_314 = arith.constant 0 : i32
        %get3A_315 = arith.constant 0 : i32
        %get3A_316 = tpu.memref_slice %arg12[%scan3A_147, %get3A_314, %get3A_315] : memref<2x128x128xf32, #tpu.memory_space<vmem>> -> memref<1x128x128xf32, #tpu.memory_space<vmem>>
        %get3A_317 = tpu.memref_squeeze %get3A_316 : memref<1x128x128xf32, #tpu.memory_space<vmem>> -> memref<128x128xf32, #tpu.memory_space<vmem>>
        %get3A_318 = arith.index_cast %add3A_297 : i32 to index
        %get3A_319 = arith.constant 16 : index
        %get3A_320 = tpu.vector_load %get3A_317[%get3A_318, %get3A_319] {strides = array<i32>} : memref<128x128xf32, #tpu.memory_space<vmem>>, vector<16xf32>,
        %mul3A_321 = arith.mulf %get3A_320, %get3A_104 : vector<16xf32>
        %add3A_322 = arith.addf %mul3A_305, %mul3A_321 : vector<16xf32>
        %get3A_323 = arith.constant 0 : i32
        %get3A_324 = arith.constant 0 : i32
        %get3A_325 = tpu.memref_slice %arg13[%scan3A_148, %get3A_323, %get3A_324] : memref<2x128x128xf32, #tpu.memory_space<vmem>> -> memref<1x128x128xf32, #tpu.memory_space<vmem>>
        %get3A_326 = tpu.memref_squeeze %get3A_325 : memref<1x128x128xf32, #tpu.memory_space<vmem>> -> memref<128x128xf32, #tpu.memory_space<vmem>>
        %get3A_327 = arith.index_cast %add3A_297 : i32 to index
        %get3A_328 = arith.constant 16 : index
        %get3A_329 = tpu.vector_load %get3A_326[%get3A_327, %get3A_328] {strides = array<i32>} : memref<128x128xf32, #tpu.memory_space<vmem>>, vector<16xf32>,
        %mul3A_330 = arith.mulf %get3A_329, %get3A_128 : vector<16xf32>
        %add3A_331 = arith.addf %mul3A_313, %mul3A_330 : vector<16xf32>
        %get3A_332 = arith.constant 0 : i32
        %get3A_333 = arith.constant 0 : i32
        %get3A_334 = tpu.memref_slice %arg12[%scan3A_147, %get3A_332, %get3A_333] : memref<2x128x128xf32, #tpu.memory_space<vmem>> -> memref<1x128x128xf32, #tpu.memory_space<vmem>>
        %get3A_335 = tpu.memref_squeeze %get3A_334 : memref<1x128x128xf32, #tpu.memory_space<vmem>> -> memref<128x128xf32, #tpu.memory_space<vmem>>
        %get3A_336 = arith.index_cast %add3A_297 : i32 to index
        %get3A_337 = arith.constant 32 : index
        %get3A_338 = tpu.vector_load %get3A_335[%get3A_336, %get3A_337] {strides = array<i32>} : memref<128x128xf32, #tpu.memory_space<vmem>>, vector<16xf32>,
        %mul3A_339 = arith.mulf %get3A_338, %get3A_107 : vector<16xf32>
        %add3A_340 = arith.addf %add3A_322, %mul3A_339 : vector<16xf32>
        %get3A_341 = arith.constant 0 : i32
        %get3A_342 = arith.constant 0 : i32
        %get3A_343 = tpu.memref_slice %arg13[%scan3A_148, %get3A_341, %get3A_342] : memref<2x128x128xf32, #tpu.memory_space<vmem>> -> memref<1x128x128xf32, #tpu.memory_space<vmem>>
        %get3A_344 = tpu.memref_squeeze %get3A_343 : memref<1x128x128xf32, #tpu.memory_space<vmem>> -> memref<128x128xf32, #tpu.memory_space<vmem>>
        %get3A_345 = arith.index_cast %add3A_297 : i32 to index
        %get3A_346 = arith.constant 32 : index
        %get3A_347 = tpu.vector_load %get3A_344[%get3A_345, %get3A_346] {strides = array<i32>} : memref<128x128xf32, #tpu.memory_space<vmem>>, vector<16xf32>,
        %mul3A_348 = arith.mulf %get3A_347, %get3A_131 : vector<16xf32>
        %add3A_349 = arith.addf %add3A_331, %mul3A_348 : vector<16xf32>
        %get3A_350 = arith.constant 0 : i32
        %get3A_351 = arith.constant 0 : i32
        %get3A_352 = tpu.memref_slice %arg12[%scan3A_147, %get3A_350, %get3A_351] : memref<2x128x128xf32, #tpu.memory_space<vmem>> -> memref<1x128x128xf32, #tpu.memory_space<vmem>>
        %get3A_353 = tpu.memref_squeeze %get3A_352 : memref<1x128x128xf32, #tpu.memory_space<vmem>> -> memref<128x128xf32, #tpu.memory_space<vmem>>
        %get3A_354 = arith.index_cast %add3A_297 : i32 to index
        %get3A_355 = arith.constant 48 : index
        %get3A_356 = tpu.vector_load %get3A_353[%get3A_354, %get3A_355] {strides = array<i32>} : memref<128x128xf32, #tpu.memory_space<vmem>>, vector<16xf32>,
        %mul3A_357 = arith.mulf %get3A_356, %get3A_110 : vector<16xf32>
        %add3A_358 = arith.addf %add3A_340, %mul3A_357 : vector<16xf32>
        %get3A_359 = arith.constant 0 : i32
        %get3A_360 = arith.constant 0 : i32
        %get3A_361 = tpu.memref_slice %arg13[%scan3A_148, %get3A_359, %get3A_360] : memref<2x128x128xf32, #tpu.memory_space<vmem>> -> memref<1x128x128xf32, #tpu.memory_space<vmem>>
        %get3A_362 = tpu.memref_squeeze %get3A_361 : memref<1x128x128xf32, #tpu.memory_space<vmem>> -> memref<128x128xf32, #tpu.memory_space<vmem>>
        %get3A_363 = arith.index_cast %add3A_297 : i32 to index
        %get3A_364 = arith.constant 48 : index
        %get3A_365 = tpu.vector_load %get3A_362[%get3A_363, %get3A_364] {strides = array<i32>} : memref<128x128xf32, #tpu.memory_space<vmem>>, vector<16xf32>,
        %mul3A_366 = arith.mulf %get3A_365, %get3A_134 : vector<16xf32>
        %add3A_367 = arith.addf %add3A_349, %mul3A_366 : vector<16xf32>
        %get3A_368 = arith.constant 0 : i32
        %get3A_369 = arith.constant 0 : i32
        %get3A_370 = tpu.memref_slice %arg12[%scan3A_147, %get3A_368, %get3A_369] : memref<2x128x128xf32, #tpu.memory_space<vmem>> -> memref<1x128x128xf32, #tpu.memory_space<vmem>>
        %get3A_371 = tpu.memref_squeeze %get3A_370 : memref<1x128x128xf32, #tpu.memory_space<vmem>> -> memref<128x128xf32, #tpu.memory_space<vmem>>
        %get3A_372 = arith.index_cast %add3A_297 : i32 to index
        %get3A_373 = arith.constant 64 : index
        %get3A_374 = tpu.vector_load %get3A_371[%get3A_372, %get3A_373] {strides = array<i32>} : memref<128x128xf32, #tpu.memory_space<vmem>>, vector<16xf32>,
        %mul3A_375 = arith.mulf %get3A_374, %get3A_113 : vector<16xf32>
        %add3A_376 = arith.addf %add3A_358, %mul3A_375 : vector<16xf32>
        %get3A_377 = arith.constant 0 : i32
        %get3A_378 = arith.constant 0 : i32
        %get3A_379 = tpu.memref_slice %arg13[%scan3A_148, %get3A_377, %get3A_378] : memref<2x128x128xf32, #tpu.memory_space<vmem>> -> memref<1x128x128xf32, #tpu.memory_space<vmem>>
        %get3A_380 = tpu.memref_squeeze %get3A_379 : memref<1x128x128xf32, #tpu.memory_space<vmem>> -> memref<128x128xf32, #tpu.memory_space<vmem>>
        %get3A_381 = arith.index_cast %add3A_297 : i32 to index
        %get3A_382 = arith.constant 64 : index
        %get3A_383 = tpu.vector_load %get3A_380[%get3A_381, %get3A_382] {strides = array<i32>} : memref<128x128xf32, #tpu.memory_space<vmem>>, vector<16xf32>,
        %mul3A_384 = arith.mulf %get3A_383, %get3A_137 : vector<16xf32>
        %add3A_385 = arith.addf %add3A_367, %mul3A_384 : vector<16xf32>
        %get3A_386 = arith.constant 0 : i32
        %get3A_387 = arith.constant 0 : i32
        %get3A_388 = tpu.memref_slice %arg12[%scan3A_147, %get3A_386, %get3A_387] : memref<2x128x128xf32, #tpu.memory_space<vmem>> -> memref<1x128x128xf32, #tpu.memory_space<vmem>>
        %get3A_389 = tpu.memref_squeeze %get3A_388 : memref<1x128x128xf32, #tpu.memory_space<vmem>> -> memref<128x128xf32, #tpu.memory_space<vmem>>
        %get3A_390 = arith.index_cast %add3A_297 : i32 to index
        %get3A_391 = arith.constant 80 : index
        %get3A_392 = tpu.vector_load %get3A_389[%get3A_390, %get3A_391] {strides = array<i32>} : memref<128x128xf32, #tpu.memory_space<vmem>>, vector<16xf32>,
        %mul3A_393 = arith.mulf %get3A_392, %get3A_116 : vector<16xf32>
        %add3A_394 = arith.addf %add3A_376, %mul3A_393 : vector<16xf32>
        %get3A_395 = arith.constant 0 : i32
        %get3A_396 = arith.constant 0 : i32
        %get3A_397 = tpu.memref_slice %arg13[%scan3A_148, %get3A_395, %get3A_396] : memref<2x128x128xf32, #tpu.memory_space<vmem>> -> memref<1x128x128xf32, #tpu.memory_space<vmem>>
        %get3A_398 = tpu.memref_squeeze %get3A_397 : memref<1x128x128xf32, #tpu.memory_space<vmem>> -> memref<128x128xf32, #tpu.memory_space<vmem>>
        %get3A_399 = arith.index_cast %add3A_297 : i32 to index
        %get3A_400 = arith.constant 80 : index
        %get3A_401 = tpu.vector_load %get3A_398[%get3A_399, %get3A_400] {strides = array<i32>} : memref<128x128xf32, #tpu.memory_space<vmem>>, vector<16xf32>,
        %mul3A_402 = arith.mulf %get3A_401, %get3A_140 : vector<16xf32>
        %add3A_403 = arith.addf %add3A_385, %mul3A_402 : vector<16xf32>
        %get3A_404 = arith.constant 0 : i32
        %get3A_405 = arith.constant 0 : i32
        %get3A_406 = tpu.memref_slice %arg12[%scan3A_147, %get3A_404, %get3A_405] : memref<2x128x128xf32, #tpu.memory_space<vmem>> -> memref<1x128x128xf32, #tpu.memory_space<vmem>>
        %get3A_407 = tpu.memref_squeeze %get3A_406 : memref<1x128x128xf32, #tpu.memory_space<vmem>> -> memref<128x128xf32, #tpu.memory_space<vmem>>
        %get3A_408 = arith.index_cast %add3A_297 : i32 to index
        %get3A_409 = arith.constant 96 : index
        %get3A_410 = tpu.vector_load %get3A_407[%get3A_408, %get3A_409] {strides = array<i32>} : memref<128x128xf32, #tpu.memory_space<vmem>>, vector<16xf32>,
        %mul3A_411 = arith.mulf %get3A_410, %get3A_119 : vector<16xf32>
        %add3A_412 = arith.addf %add3A_394, %mul3A_411 : vector<16xf32>
        %get3A_413 = arith.constant 0 : i32
        %get3A_414 = arith.constant 0 : i32
        %get3A_415 = tpu.memref_slice %arg13[%scan3A_148, %get3A_413, %get3A_414] : memref<2x128x128xf32, #tpu.memory_space<vmem>> -> memref<1x128x128xf32, #tpu.memory_space<vmem>>
        %get3A_416 = tpu.memref_squeeze %get3A_415 : memref<1x128x128xf32, #tpu.memory_space<vmem>> -> memref<128x128xf32, #tpu.memory_space<vmem>>
        %get3A_417 = arith.index_cast %add3A_297 : i32 to index
        %get3A_418 = arith.constant 96 : index
        %get3A_419 = tpu.vector_load %get3A_416[%get3A_417, %get3A_418] {strides = array<i32>} : memref<128x128xf32, #tpu.memory_space<vmem>>, vector<16xf32>,
        %mul3A_420 = arith.mulf %get3A_419, %get3A_143 : vector<16xf32>
        %add3A_421 = arith.addf %add3A_403, %mul3A_420 : vector<16xf32>
        %get3A_422 = arith.constant 0 : i32
        %get3A_423 = arith.constant 0 : i32
        %get3A_424 = tpu.memref_slice %arg12[%scan3A_147, %get3A_422, %get3A_423] : memref<2x128x128xf32, #tpu.memory_space<vmem>> -> memref<1x128x128xf32, #tpu.memory_space<vmem>>
        %get3A_425 = tpu.memref_squeeze %get3A_424 : memref<1x128x128xf32, #tpu.memory_space<vmem>> -> memref<128x128xf32, #tpu.memory_space<vmem>>
        %get3A_426 = arith.index_cast %add3A_297 : i32 to index
        %get3A_427 = arith.constant 112 : index
        %get3A_428 = tpu.vector_load %get3A_425[%get3A_426, %get3A_427] {strides = array<i32>} : memref<128x128xf32, #tpu.memory_space<vmem>>, vector<16xf32>,
        %mul3A_429 = arith.mulf %get3A_428, %get3A_122 : vector<16xf32>
        %add3A_430 = arith.addf %add3A_412, %mul3A_429 : vector<16xf32>
        %get3A_431 = arith.constant 0 : i32
        %get3A_432 = arith.constant 0 : i32
        %get3A_433 = tpu.memref_slice %arg13[%scan3A_148, %get3A_431, %get3A_432] : memref<2x128x128xf32, #tpu.memory_space<vmem>> -> memref<1x128x128xf32, #tpu.memory_space<vmem>>
        %get3A_434 = tpu.memref_squeeze %get3A_433 : memref<1x128x128xf32, #tpu.memory_space<vmem>> -> memref<128x128xf32, #tpu.memory_space<vmem>>
        %get3A_435 = arith.index_cast %add3A_297 : i32 to index
        %get3A_436 = arith.constant 112 : index
        %get3A_437 = tpu.vector_load %get3A_434[%get3A_435, %get3A_436] {strides = array<i32>} : memref<128x128xf32, #tpu.memory_space<vmem>>, vector<16xf32>,
        %mul3A_438 = arith.mulf %get3A_437, %get3A_146 : vector<16xf32>
        %add3A_439 = arith.addf %add3A_421, %mul3A_438 : vector<16xf32>
        %mul3A_440 = arith.constant 16 : i32
        %mul3A_441 = arith.muli %add3A_297, %mul3A_440 : i32
        %swap3A = arith.index_cast %mul3A_441 : i32 to index
        %swap3A_442 = tpu.vector_load %arg14[%swap3A] {strides = array<i32>} : memref<2048xf32, #tpu.memory_space<vmem>>, vector<16xf32>,
        tpu.vector_store %arg14[%swap3A], %add3A_430 {strides = array<i32>} : memref<2048xf32, #tpu.memory_space<vmem>>, vector<16xf32>,
        %mul3A_443 = arith.constant 16 : i32
        %mul3A_444 = arith.muli %add3A_297, %mul3A_443 : i32
        %swap3A_445 = arith.index_cast %mul3A_444 : i32 to index
        %swap3A_446 = tpu.vector_load %arg16[%swap3A_445] {strides = array<i32>} : memref<2048xf32, #tpu.memory_space<vmem>>, vector<16xf32>,
        tpu.vector_store %arg16[%swap3A_445], %add3A_439 {strides = array<i32>} : memref<2048xf32, #tpu.memory_space<vmem>>, vector<16xf32>,
      }
      %scan3A_153 = arith.constant 128 : i32
      %mul3A_154 = arith.constant 128 : i32
      %mul3A_155 = arith.muli %add3A_63, %mul3A_154 : i32
      %add3A_156 = arith.addi %mul3A_2, %mul3A_155 : i32
      %mul3A_157 = arith.constant 16 : i32
      %mul3A_158 = arith.muli %add3A_156, %mul3A_157 : i32
      %ge3A = arith.constant 2 : i32
      %ge3A_159 = arith.cmpi sge, %add3A_63, %ge3A : i32
      %convert_element_type3A = arith.extui %ge3A_159 : i1 to i32
      %cond3A = arith.constant 0 : i32
      %cond3A_160 = arith.cmpi ne, %convert_element_type3A, %cond3A : i32
      scf.if %cond3A_160 {
        %dma_wait3A_293 = tpu.memref_slice %arg7[%mul3A_158] : memref<8388608xf32, #tpu.memory_space<hbm>> -> memref<2048xf32, #tpu.memory_space<hbm>>
        %dma_wait3A_294 = tpu.memref_slice %arg7[%mul3A_158] : memref<8388608xf32, #tpu.memory_space<hbm>> -> memref<2048xf32, #tpu.memory_space<hbm>>
        tpu.wait_dma2 semaphore(%arg22 : memref<!tpu.dma_semaphore, #tpu.memory_space<semaphore_mem>>) src(%arg14 : memref<2048xf32, #tpu.memory_space<vmem>>) dst(%dma_wait3A_294 : memref<2048xf32, #tpu.memory_space<hbm>>)
        %dma_wait3A_295 = tpu.memref_slice %arg8[%mul3A_158] : memref<8388608xf32, #tpu.memory_space<hbm>> -> memref<2048xf32, #tpu.memory_space<hbm>>
        %dma_wait3A_296 = tpu.memref_slice %arg8[%mul3A_158] : memref<8388608xf32, #tpu.memory_space<hbm>> -> memref<2048xf32, #tpu.memory_space<hbm>>
        tpu.wait_dma2 semaphore(%arg24 : memref<!tpu.dma_semaphore, #tpu.memory_space<semaphore_mem>>) src(%arg16 : memref<2048xf32, #tpu.memory_space<vmem>>) dst(%dma_wait3A_296 : memref<2048xf32, #tpu.memory_space<hbm>>)
      } else {
      }
      %dma_start3A_161 = tpu.memref_slice %arg7[%mul3A_158] : memref<8388608xf32, #tpu.memory_space<hbm>> -> memref<2048xf32, #tpu.memory_space<hbm>>
      %dma_start3A_162 = tpu.memref_slice %arg7[%mul3A_158] : memref<8388608xf32, #tpu.memory_space<hbm>> -> memref<2048xf32, #tpu.memory_space<hbm>>
      tpu.enqueue_dma source(%arg14 : memref<2048xf32, #tpu.memory_space<vmem>>) target(%dma_start3A_162 : memref<2048xf32, #tpu.memory_space<hbm>>) target_semaphore(%arg22 : memref<!tpu.dma_semaphore, #tpu.memory_space<semaphore_mem>>)
      %dma_start3A_163 = tpu.memref_slice %arg8[%mul3A_158] : memref<8388608xf32, #tpu.memory_space<hbm>> -> memref<2048xf32, #tpu.memory_space<hbm>>
      %dma_start3A_164 = tpu.memref_slice %arg8[%mul3A_158] : memref<8388608xf32, #tpu.memory_space<hbm>> -> memref<2048xf32, #tpu.memory_space<hbm>>
      tpu.enqueue_dma source(%arg16 : memref<2048xf32, #tpu.memory_space<vmem>>) target(%dma_start3A_164 : memref<2048xf32, #tpu.memory_space<hbm>>) target_semaphore(%arg24 : memref<!tpu.dma_semaphore, #tpu.memory_space<semaphore_mem>>)
      %add3A_165 = arith.constant 2 : i32
      %add3A_166 = arith.addi %add3A_63, %add3A_165 : i32
      %lt3A = arith.constant 128 : i32
      %lt3A_167 = arith.cmpi slt, %add3A_166, %lt3A : i32
      %convert_element_type3A_168 = arith.extui %lt3A_167 : i1 to i32
      %cond3A_169 = arith.constant 0 : i32
      %cond3A_170 = arith.cmpi ne, %convert_element_type3A_168, %cond3A_169 : i32
      scf.if %cond3A_170 {
        %add3A_293 = arith.constant 2 : i32
        %add3A_294 = arith.addi %add3A_63, %add3A_293 : i32
        %mul3A_295 = arith.constant 128 : i32
        %mul3A_296 = arith.muli %add3A_294, %mul3A_295 : i32
        %dma_start3A_297 = arith.constant 0 : i32
        %dma_start3A_298 = arith.constant 0 : i32
        %dma_start3A_299 = arith.constant 0 : i32
        %dma_start3A_300 = tpu.memref_slice %arg12[%dma_start3A_297, %dma_start3A_298, %dma_start3A_299] : memref<2x128x128xf32, #tpu.memory_space<vmem>> -> memref<1x128x128xf32, #tpu.memory_space<vmem>>
        %dma_start3A_301 = tpu.memref_squeeze %dma_start3A_300 : memref<1x128x128xf32, #tpu.memory_space<vmem>> -> memref<128x128xf32, #tpu.memory_space<vmem>>
        %dma_start3A_302 = tpu.memref_slice %arg9[%mul3A_296] : memref<16384xi32, #tpu.memory_space<vmem>> -> memref<128xi32, #tpu.memory_space<vmem>>
        %dma_start3A_303 = arith.constant 0 : i32
        %dma_start3A_304 = arith.constant 0 : i32
        %dma_start3A_305 = tpu.memref_slice %arg2[%dma_start3A_303, %dma_start3A_304] : memref<1000000x128xf32, #tpu.memory_space<hbm>> -> memref<1000000x128xf32, #tpu.memory_space<hbm>>
        tpu.enqueue_indirect_dma source(%dma_start3A_305 : memref<1000000x128xf32, #tpu.memory_space<hbm>>) target(%dma_start3A_301 : memref<128x128xf32, #tpu.memory_space<vmem>>) offsets(%dma_start3A_302 : memref<128xi32, #tpu.memory_space<vmem>>) semaphore(%arg18 : memref<!tpu.dma_semaphore, #tpu.memory_space<semaphore_mem>>)
        %dma_start3A_306 = arith.constant 0 : i32
        %dma_start3A_307 = arith.constant 0 : i32
        %dma_start3A_308 = arith.constant 0 : i32
        %dma_start3A_309 = tpu.memref_slice %arg13[%dma_start3A_306, %dma_start3A_307, %dma_start3A_308] : memref<2x128x128xf32, #tpu.memory_space<vmem>> -> memref<1x128x128xf32, #tpu.memory_space<vmem>>
        %dma_start3A_310 = tpu.memref_squeeze %dma_start3A_309 : memref<1x128x128xf32, #tpu.memory_space<vmem>> -> memref<128x128xf32, #tpu.memory_space<vmem>>
        %dma_start3A_311 = tpu.memref_slice %arg9[%mul3A_296] : memref<16384xi32, #tpu.memory_space<vmem>> -> memref<128xi32, #tpu.memory_space<vmem>>
        %dma_start3A_312 = arith.constant 0 : i32
        %dma_start3A_313 = arith.constant 0 : i32
        %dma_start3A_314 = tpu.memref_slice %arg3[%dma_start3A_312, %dma_start3A_313] : memref<1000000x128xf32, #tpu.memory_space<hbm>> -> memref<1000000x128xf32, #tpu.memory_space<hbm>>
        tpu.enqueue_indirect_dma source(%dma_start3A_314 : memref<1000000x128xf32, #tpu.memory_space<hbm>>) target(%dma_start3A_310 : memref<128x128xf32, #tpu.memory_space<vmem>>) offsets(%dma_start3A_311 : memref<128xi32, #tpu.memory_space<vmem>>) semaphore(%arg20 : memref<!tpu.dma_semaphore, #tpu.memory_space<semaphore_mem>>)
      } else {
      }
      %add3A_171 = arith.constant 1 : i32
      %add3A_172 = arith.addi %add3A_63, %add3A_171 : i32
      %mul3A_173 = arith.constant 128 : i32
      %mul3A_174 = arith.muli %add3A_172, %mul3A_173 : i32
      %dma_wait3A_175 = arith.constant 1 : i32
      %dma_wait3A_176 = arith.constant 0 : i32
      %dma_wait3A_177 = arith.constant 0 : i32
      %dma_wait3A_178 = tpu.memref_slice %arg12[%dma_wait3A_175, %dma_wait3A_176, %dma_wait3A_177] : memref<2x128x128xf32, #tpu.memory_space<vmem>> -> memref<1x128x128xf32, #tpu.memory_space<vmem>>
      %dma_wait3A_179 = tpu.memref_squeeze %dma_wait3A_178 : memref<1x128x128xf32, #tpu.memory_space<vmem>> -> memref<128x128xf32, #tpu.memory_space<vmem>>
      %dma_wait3A_180 = tpu.memref_slice %arg9[%mul3A_174] : memref<16384xi32, #tpu.memory_space<vmem>> -> memref<128xi32, #tpu.memory_space<vmem>>
      %dma_wait3A_181 = arith.constant 0 : i32
      %dma_wait3A_182 = arith.constant 0 : i32
      %dma_wait3A_183 = tpu.memref_slice %arg2[%dma_wait3A_181, %dma_wait3A_182] : memref<1000000x128xf32, #tpu.memory_space<hbm>> -> memref<1000000x128xf32, #tpu.memory_space<hbm>>
      tpu.wait_indirect_dma semaphore(%arg19 : memref<!tpu.dma_semaphore, #tpu.memory_space<semaphore_mem>>) src(%dma_wait3A_183 : memref<1000000x128xf32, #tpu.memory_space<hbm>>) dst(%dma_wait3A_179 : memref<128x128xf32, #tpu.memory_space<vmem>>)
      %dma_wait3A_184 = arith.constant 1 : i32
      %dma_wait3A_185 = arith.constant 0 : i32
      %dma_wait3A_186 = arith.constant 0 : i32
      %dma_wait3A_187 = tpu.memref_slice %arg13[%dma_wait3A_184, %dma_wait3A_185, %dma_wait3A_186] : memref<2x128x128xf32, #tpu.memory_space<vmem>> -> memref<1x128x128xf32, #tpu.memory_space<vmem>>
      %dma_wait3A_188 = tpu.memref_squeeze %dma_wait3A_187 : memref<1x128x128xf32, #tpu.memory_space<vmem>> -> memref<128x128xf32, #tpu.memory_space<vmem>>
      %dma_wait3A_189 = tpu.memref_slice %arg9[%mul3A_174] : memref<16384xi32, #tpu.memory_space<vmem>> -> memref<128xi32, #tpu.memory_space<vmem>>
      %dma_wait3A_190 = arith.constant 0 : i32
      %dma_wait3A_191 = arith.constant 0 : i32
      %dma_wait3A_192 = tpu.memref_slice %arg3[%dma_wait3A_190, %dma_wait3A_191] : memref<1000000x128xf32, #tpu.memory_space<hbm>> -> memref<1000000x128xf32, #tpu.memory_space<hbm>>
      tpu.wait_indirect_dma semaphore(%arg21 : memref<!tpu.dma_semaphore, #tpu.memory_space<semaphore_mem>>) src(%dma_wait3A_192 : memref<1000000x128xf32, #tpu.memory_space<hbm>>) dst(%dma_wait3A_188 : memref<128x128xf32, #tpu.memory_space<vmem>>)
      %jit3A_193 = arith.constant 4 : i32
      %div3A_194 = arith.divsi %add3A_172, %jit3A_193 : i32
      %sign3A_195 = arith.constant 0 : i32
      %sign3A_196 = arith.cmpi sgt, %add3A_172, %sign3A_195 : i32
      %sign3A_197 = arith.extui %sign3A_196 : i1 to i32
      %sign3A_198 = arith.constant 0 : i32
      %sign3A_199 = arith.cmpi slt, %add3A_172, %sign3A_198 : i32
      %sign3A_200 = arith.extui %sign3A_199 : i1 to i32
      %sign3A_201 = arith.subi %sign3A_197, %sign3A_200 : i32
      %sign3A_202 = arith.constant 0 : i32
      %sign3A_203 = arith.cmpi sgt, %jit3A_193, %sign3A_202 : i32
      %sign3A_204 = arith.extui %sign3A_203 : i1 to i32
      %sign3A_205 = arith.constant 0 : i32
      %sign3A_206 = arith.cmpi slt, %jit3A_193, %sign3A_205 : i32
      %sign3A_207 = arith.extui %sign3A_206 : i1 to i32
      %sign3A_208 = arith.subi %sign3A_204, %sign3A_207 : i32
      %ne3A_209 = arith.cmpi ne, %sign3A_201, %sign3A_208 : i32
      %rem3A_210 = arith.remsi %add3A_172, %jit3A_193 : i32
      %ne3A_211 = arith.constant 0 : i32
      %ne3A_212 = arith.cmpi ne, %rem3A_210, %ne3A_211 : i32
      %and3A_213 = arith.andi %ne3A_209, %ne3A_212 : i1
      %sub3A_214 = arith.constant 1 : i32
      %sub3A_215 = arith.subi %div3A_194, %sub3A_214 : i32
      %select_n3A_216 = arith.select %and3A_213, %sub3A_215, %div3A_194 : i32
      %get3A_217 = arith.index_cast %select_n3A_216 : i32 to index
      %get3A_218 = arith.constant 0 : index
      %get3A_219 = tpu.vector_load %arg10[%get3A_217, %get3A_218] {strides = array<i32>} : memref<32x128xf32, #tpu.memory_space<vmem>>, vector<16xf32>,
      %get3A_220 = arith.index_cast %select_n3A_216 : i32 to index
      %get3A_221 = arith.constant 16 : index
      %get3A_222 = tpu.vector_load %arg10[%get3A_220, %get3A_221] {strides = array<i32>} : memref<32x128xf32, #tpu.memory_space<vmem>>, vector<16xf32>,
      %get3A_223 = arith.index_cast %select_n3A_216 : i32 to index
      %get3A_224 = arith.constant 32 : index
      %get3A_225 = tpu.vector_load %arg10[%get3A_223, %get3A_224] {strides = array<i32>} : memref<32x128xf32, #tpu.memory_space<vmem>>, vector<16xf32>,
      %get3A_226 = arith.index_cast %select_n3A_216 : i32 to index
      %get3A_227 = arith.constant 48 : index
      %get3A_228 = tpu.vector_load %arg10[%get3A_226, %get3A_227] {strides = array<i32>} : memref<32x128xf32, #tpu.memory_space<vmem>>, vector<16xf32>,
      %get3A_229 = arith.index_cast %select_n3A_216 : i32 to index
      %get3A_230 = arith.constant 64 : index
      %get3A_231 = tpu.vector_load %arg10[%get3A_229, %get3A_230] {strides = array<i32>} : memref<32x128xf32, #tpu.memory_space<vmem>>, vector<16xf32>,
      %get3A_232 = arith.index_cast %select_n3A_216 : i32 to index
      %get3A_233 = arith.constant 80 : index
      %get3A_234 = tpu.vector_load %arg10[%get3A_232, %get3A_233] {strides = array<i32>} : memref<32x128xf32, #tpu.memory_space<vmem>>, vector<16xf32>,
      %get3A_235 = arith.index_cast %select_n3A_216 : i32 to index
      %get3A_236 = arith.constant 96 : index
      %get3A_237 = tpu.vector_load %arg10[%get3A_235, %get3A_236] {strides = array<i32>} : memref<32x128xf32, #tpu.memory_space<vmem>>, vector<16xf32>,
      %get3A_238 = arith.index_cast %select_n3A_216 : i32 to index
      %get3A_239 = arith.constant 112 : index
      %get3A_240 = tpu.vector_load %arg10[%get3A_238, %get3A_239] {strides = array<i32>} : memref<32x128xf32, #tpu.memory_space<vmem>>, vector<16xf32>,
      %get3A_241 = arith.index_cast %select_n3A_216 : i32 to index
      %get3A_242 = arith.constant 0 : index
      %get3A_243 = tpu.vector_load %arg11[%get3A_241, %get3A_242] {strides = array<i32>} : memref<32x128xf32, #tpu.memory_space<vmem>>, vector<16xf32>,
      %get3A_244 = arith.index_cast %select_n3A_216 : i32 to index
      %get3A_245 = arith.constant 16 : index
      %get3A_246 = tpu.vector_load %arg11[%get3A_244, %get3A_245] {strides = array<i32>} : memref<32x128xf32, #tpu.memory_space<vmem>>, vector<16xf32>,
      %get3A_247 = arith.index_cast %select_n3A_216 : i32 to index
      %get3A_248 = arith.constant 32 : index
      %get3A_249 = tpu.vector_load %arg11[%get3A_247, %get3A_248] {strides = array<i32>} : memref<32x128xf32, #tpu.memory_space<vmem>>, vector<16xf32>,
      %get3A_250 = arith.index_cast %select_n3A_216 : i32 to index
      %get3A_251 = arith.constant 48 : index
      %get3A_252 = tpu.vector_load %arg11[%get3A_250, %get3A_251] {strides = array<i32>} : memref<32x128xf32, #tpu.memory_space<vmem>>, vector<16xf32>,
      %get3A_253 = arith.index_cast %select_n3A_216 : i32 to index
      %get3A_254 = arith.constant 64 : index
      %get3A_255 = tpu.vector_load %arg11[%get3A_253, %get3A_254] {strides = array<i32>} : memref<32x128xf32, #tpu.memory_space<vmem>>, vector<16xf32>,
      %get3A_256 = arith.index_cast %select_n3A_216 : i32 to index
      %get3A_257 = arith.constant 80 : index
      %get3A_258 = tpu.vector_load %arg11[%get3A_256, %get3A_257] {strides = array<i32>} : memref<32x128xf32, #tpu.memory_space<vmem>>, vector<16xf32>,
      %get3A_259 = arith.index_cast %select_n3A_216 : i32 to index
      %get3A_260 = arith.constant 96 : index
      %get3A_261 = tpu.vector_load %arg11[%get3A_259, %get3A_260] {strides = array<i32>} : memref<32x128xf32, #tpu.memory_space<vmem>>, vector<16xf32>,
      %get3A_262 = arith.index_cast %select_n3A_216 : i32 to index
      %get3A_263 = arith.constant 112 : index
      %get3A_264 = tpu.vector_load %arg11[%get3A_262, %get3A_263] {strides = array<i32>} : memref<32x128xf32, #tpu.memory_space<vmem>>, vector<16xf32>,
      %scan3A_265 = arith.constant 1 : i32
      %scan3A_266 = arith.constant 1 : i32
      %scan3A_267 = arith.constant 0 : i32
      %scan3A_268 = arith.constant 128 : i32
      %scan3A_269 = arith.addi %scan3A_267, %scan3A_268 : i32
      %scan3A_270 = arith.constant 1 : i32
      scf.for %scan3A_293 = %scan3A_267 to %scan3A_269 step %scan3A_270  : i32 {
        %mul3A_294 = arith.constant 1 : i32
        %mul3A_295 = arith.muli %scan3A_293, %mul3A_294 : i32
        %add3A_296 = arith.constant 0 : i32
        %add3A_297 = arith.addi %add3A_296, %mul3A_295 : i32
        %get3A_298 = arith.constant 0 : i32
        %get3A_299 = arith.constant 0 : i32
        %get3A_300 = tpu.memref_slice %arg12[%scan3A_265, %get3A_298, %get3A_299] : memref<2x128x128xf32, #tpu.memory_space<vmem>> -> memref<1x128x128xf32, #tpu.memory_space<vmem>>
        %get3A_301 = tpu.memref_squeeze %get3A_300 : memref<1x128x128xf32, #tpu.memory_space<vmem>> -> memref<128x128xf32, #tpu.memory_space<vmem>>
        %get3A_302 = arith.index_cast %add3A_297 : i32 to index
        %get3A_303 = arith.constant 0 : index
        %get3A_304 = tpu.vector_load %get3A_301[%get3A_302, %get3A_303] {strides = array<i32>} : memref<128x128xf32, #tpu.memory_space<vmem>>, vector<16xf32>,
        %mul3A_305 = arith.mulf %get3A_304, %get3A_219 : vector<16xf32>
        %get3A_306 = arith.constant 0 : i32
        %get3A_307 = arith.constant 0 : i32
        %get3A_308 = tpu.memref_slice %arg13[%scan3A_266, %get3A_306, %get3A_307] : memref<2x128x128xf32, #tpu.memory_space<vmem>> -> memref<1x128x128xf32, #tpu.memory_space<vmem>>
        %get3A_309 = tpu.memref_squeeze %get3A_308 : memref<1x128x128xf32, #tpu.memory_space<vmem>> -> memref<128x128xf32, #tpu.memory_space<vmem>>
        %get3A_310 = arith.index_cast %add3A_297 : i32 to index
        %get3A_311 = arith.constant 0 : index
        %get3A_312 = tpu.vector_load %get3A_309[%get3A_310, %get3A_311] {strides = array<i32>} : memref<128x128xf32, #tpu.memory_space<vmem>>, vector<16xf32>,
        %mul3A_313 = arith.mulf %get3A_312, %get3A_243 : vector<16xf32>
        %get3A_314 = arith.constant 0 : i32
        %get3A_315 = arith.constant 0 : i32
        %get3A_316 = tpu.memref_slice %arg12[%scan3A_265, %get3A_314, %get3A_315] : memref<2x128x128xf32, #tpu.memory_space<vmem>> -> memref<1x128x128xf32, #tpu.memory_space<vmem>>
        %get3A_317 = tpu.memref_squeeze %get3A_316 : memref<1x128x128xf32, #tpu.memory_space<vmem>> -> memref<128x128xf32, #tpu.memory_space<vmem>>
        %get3A_318 = arith.index_cast %add3A_297 : i32 to index
        %get3A_319 = arith.constant 16 : index
        %get3A_320 = tpu.vector_load %get3A_317[%get3A_318, %get3A_319] {strides = array<i32>} : memref<128x128xf32, #tpu.memory_space<vmem>>, vector<16xf32>,
        %mul3A_321 = arith.mulf %get3A_320, %get3A_222 : vector<16xf32>
        %add3A_322 = arith.addf %mul3A_305, %mul3A_321 : vector<16xf32>
        %get3A_323 = arith.constant 0 : i32
        %get3A_324 = arith.constant 0 : i32
        %get3A_325 = tpu.memref_slice %arg13[%scan3A_266, %get3A_323, %get3A_324] : memref<2x128x128xf32, #tpu.memory_space<vmem>> -> memref<1x128x128xf32, #tpu.memory_space<vmem>>
        %get3A_326 = tpu.memref_squeeze %get3A_325 : memref<1x128x128xf32, #tpu.memory_space<vmem>> -> memref<128x128xf32, #tpu.memory_space<vmem>>
        %get3A_327 = arith.index_cast %add3A_297 : i32 to index
        %get3A_328 = arith.constant 16 : index
        %get3A_329 = tpu.vector_load %get3A_326[%get3A_327, %get3A_328] {strides = array<i32>} : memref<128x128xf32, #tpu.memory_space<vmem>>, vector<16xf32>,
        %mul3A_330 = arith.mulf %get3A_329, %get3A_246 : vector<16xf32>
        %add3A_331 = arith.addf %mul3A_313, %mul3A_330 : vector<16xf32>
        %get3A_332 = arith.constant 0 : i32
        %get3A_333 = arith.constant 0 : i32
        %get3A_334 = tpu.memref_slice %arg12[%scan3A_265, %get3A_332, %get3A_333] : memref<2x128x128xf32, #tpu.memory_space<vmem>> -> memref<1x128x128xf32, #tpu.memory_space<vmem>>
        %get3A_335 = tpu.memref_squeeze %get3A_334 : memref<1x128x128xf32, #tpu.memory_space<vmem>> -> memref<128x128xf32, #tpu.memory_space<vmem>>
        %get3A_336 = arith.index_cast %add3A_297 : i32 to index
        %get3A_337 = arith.constant 32 : index
        %get3A_338 = tpu.vector_load %get3A_335[%get3A_336, %get3A_337] {strides = array<i32>} : memref<128x128xf32, #tpu.memory_space<vmem>>, vector<16xf32>,
        %mul3A_339 = arith.mulf %get3A_338, %get3A_225 : vector<16xf32>
        %add3A_340 = arith.addf %add3A_322, %mul3A_339 : vector<16xf32>
        %get3A_341 = arith.constant 0 : i32
        %get3A_342 = arith.constant 0 : i32
        %get3A_343 = tpu.memref_slice %arg13[%scan3A_266, %get3A_341, %get3A_342] : memref<2x128x128xf32, #tpu.memory_space<vmem>> -> memref<1x128x128xf32, #tpu.memory_space<vmem>>
        %get3A_344 = tpu.memref_squeeze %get3A_343 : memref<1x128x128xf32, #tpu.memory_space<vmem>> -> memref<128x128xf32, #tpu.memory_space<vmem>>
        %get3A_345 = arith.index_cast %add3A_297 : i32 to index
        %get3A_346 = arith.constant 32 : index
        %get3A_347 = tpu.vector_load %get3A_344[%get3A_345, %get3A_346] {strides = array<i32>} : memref<128x128xf32, #tpu.memory_space<vmem>>, vector<16xf32>,
        %mul3A_348 = arith.mulf %get3A_347, %get3A_249 : vector<16xf32>
        %add3A_349 = arith.addf %add3A_331, %mul3A_348 : vector<16xf32>
        %get3A_350 = arith.constant 0 : i32
        %get3A_351 = arith.constant 0 : i32
        %get3A_352 = tpu.memref_slice %arg12[%scan3A_265, %get3A_350, %get3A_351] : memref<2x128x128xf32, #tpu.memory_space<vmem>> -> memref<1x128x128xf32, #tpu.memory_space<vmem>>
        %get3A_353 = tpu.memref_squeeze %get3A_352 : memref<1x128x128xf32, #tpu.memory_space<vmem>> -> memref<128x128xf32, #tpu.memory_space<vmem>>
        %get3A_354 = arith.index_cast %add3A_297 : i32 to index
        %get3A_355 = arith.constant 48 : index
        %get3A_356 = tpu.vector_load %get3A_353[%get3A_354, %get3A_355] {strides = array<i32>} : memref<128x128xf32, #tpu.memory_space<vmem>>, vector<16xf32>,
        %mul3A_357 = arith.mulf %get3A_356, %get3A_228 : vector<16xf32>
        %add3A_358 = arith.addf %add3A_340, %mul3A_357 : vector<16xf32>
        %get3A_359 = arith.constant 0 : i32
        %get3A_360 = arith.constant 0 : i32
        %get3A_361 = tpu.memref_slice %arg13[%scan3A_266, %get3A_359, %get3A_360] : memref<2x128x128xf32, #tpu.memory_space<vmem>> -> memref<1x128x128xf32, #tpu.memory_space<vmem>>
        %get3A_362 = tpu.memref_squeeze %get3A_361 : memref<1x128x128xf32, #tpu.memory_space<vmem>> -> memref<128x128xf32, #tpu.memory_space<vmem>>
        %get3A_363 = arith.index_cast %add3A_297 : i32 to index
        %get3A_364 = arith.constant 48 : index
        %get3A_365 = tpu.vector_load %get3A_362[%get3A_363, %get3A_364] {strides = array<i32>} : memref<128x128xf32, #tpu.memory_space<vmem>>, vector<16xf32>,
        %mul3A_366 = arith.mulf %get3A_365, %get3A_252 : vector<16xf32>
        %add3A_367 = arith.addf %add3A_349, %mul3A_366 : vector<16xf32>
        %get3A_368 = arith.constant 0 : i32
        %get3A_369 = arith.constant 0 : i32
        %get3A_370 = tpu.memref_slice %arg12[%scan3A_265, %get3A_368, %get3A_369] : memref<2x128x128xf32, #tpu.memory_space<vmem>> -> memref<1x128x128xf32, #tpu.memory_space<vmem>>
        %get3A_371 = tpu.memref_squeeze %get3A_370 : memref<1x128x128xf32, #tpu.memory_space<vmem>> -> memref<128x128xf32, #tpu.memory_space<vmem>>
        %get3A_372 = arith.index_cast %add3A_297 : i32 to index
        %get3A_373 = arith.constant 64 : index
        %get3A_374 = tpu.vector_load %get3A_371[%get3A_372, %get3A_373] {strides = array<i32>} : memref<128x128xf32, #tpu.memory_space<vmem>>, vector<16xf32>,
        %mul3A_375 = arith.mulf %get3A_374, %get3A_231 : vector<16xf32>
        %add3A_376 = arith.addf %add3A_358, %mul3A_375 : vector<16xf32>
        %get3A_377 = arith.constant 0 : i32
        %get3A_378 = arith.constant 0 : i32
        %get3A_379 = tpu.memref_slice %arg13[%scan3A_266, %get3A_377, %get3A_378] : memref<2x128x128xf32, #tpu.memory_space<vmem>> -> memref<1x128x128xf32, #tpu.memory_space<vmem>>
        %get3A_380 = tpu.memref_squeeze %get3A_379 : memref<1x128x128xf32, #tpu.memory_space<vmem>> -> memref<128x128xf32, #tpu.memory_space<vmem>>
        %get3A_381 = arith.index_cast %add3A_297 : i32 to index
        %get3A_382 = arith.constant 64 : index
        %get3A_383 = tpu.vector_load %get3A_380[%get3A_381, %get3A_382] {strides = array<i32>} : memref<128x128xf32, #tpu.memory_space<vmem>>, vector<16xf32>,
        %mul3A_384 = arith.mulf %get3A_383, %get3A_255 : vector<16xf32>
        %add3A_385 = arith.addf %add3A_367, %mul3A_384 : vector<16xf32>
        %get3A_386 = arith.constant 0 : i32
        %get3A_387 = arith.constant 0 : i32
        %get3A_388 = tpu.memref_slice %arg12[%scan3A_265, %get3A_386, %get3A_387] : memref<2x128x128xf32, #tpu.memory_space<vmem>> -> memref<1x128x128xf32, #tpu.memory_space<vmem>>
        %get3A_389 = tpu.memref_squeeze %get3A_388 : memref<1x128x128xf32, #tpu.memory_space<vmem>> -> memref<128x128xf32, #tpu.memory_space<vmem>>
        %get3A_390 = arith.index_cast %add3A_297 : i32 to index
        %get3A_391 = arith.constant 80 : index
        %get3A_392 = tpu.vector_load %get3A_389[%get3A_390, %get3A_391] {strides = array<i32>} : memref<128x128xf32, #tpu.memory_space<vmem>>, vector<16xf32>,
        %mul3A_393 = arith.mulf %get3A_392, %get3A_234 : vector<16xf32>
        %add3A_394 = arith.addf %add3A_376, %mul3A_393 : vector<16xf32>
        %get3A_395 = arith.constant 0 : i32
        %get3A_396 = arith.constant 0 : i32
        %get3A_397 = tpu.memref_slice %arg13[%scan3A_266, %get3A_395, %get3A_396] : memref<2x128x128xf32, #tpu.memory_space<vmem>> -> memref<1x128x128xf32, #tpu.memory_space<vmem>>
        %get3A_398 = tpu.memref_squeeze %get3A_397 : memref<1x128x128xf32, #tpu.memory_space<vmem>> -> memref<128x128xf32, #tpu.memory_space<vmem>>
        %get3A_399 = arith.index_cast %add3A_297 : i32 to index
        %get3A_400 = arith.constant 80 : index
        %get3A_401 = tpu.vector_load %get3A_398[%get3A_399, %get3A_400] {strides = array<i32>} : memref<128x128xf32, #tpu.memory_space<vmem>>, vector<16xf32>,
        %mul3A_402 = arith.mulf %get3A_401, %get3A_258 : vector<16xf32>
        %add3A_403 = arith.addf %add3A_385, %mul3A_402 : vector<16xf32>
        %get3A_404 = arith.constant 0 : i32
        %get3A_405 = arith.constant 0 : i32
        %get3A_406 = tpu.memref_slice %arg12[%scan3A_265, %get3A_404, %get3A_405] : memref<2x128x128xf32, #tpu.memory_space<vmem>> -> memref<1x128x128xf32, #tpu.memory_space<vmem>>
        %get3A_407 = tpu.memref_squeeze %get3A_406 : memref<1x128x128xf32, #tpu.memory_space<vmem>> -> memref<128x128xf32, #tpu.memory_space<vmem>>
        %get3A_408 = arith.index_cast %add3A_297 : i32 to index
        %get3A_409 = arith.constant 96 : index
        %get3A_410 = tpu.vector_load %get3A_407[%get3A_408, %get3A_409] {strides = array<i32>} : memref<128x128xf32, #tpu.memory_space<vmem>>, vector<16xf32>,
        %mul3A_411 = arith.mulf %get3A_410, %get3A_237 : vector<16xf32>
        %add3A_412 = arith.addf %add3A_394, %mul3A_411 : vector<16xf32>
        %get3A_413 = arith.constant 0 : i32
        %get3A_414 = arith.constant 0 : i32
        %get3A_415 = tpu.memref_slice %arg13[%scan3A_266, %get3A_413, %get3A_414] : memref<2x128x128xf32, #tpu.memory_space<vmem>> -> memref<1x128x128xf32, #tpu.memory_space<vmem>>
        %get3A_416 = tpu.memref_squeeze %get3A_415 : memref<1x128x128xf32, #tpu.memory_space<vmem>> -> memref<128x128xf32, #tpu.memory_space<vmem>>
        %get3A_417 = arith.index_cast %add3A_297 : i32 to index
        %get3A_418 = arith.constant 96 : index
        %get3A_419 = tpu.vector_load %get3A_416[%get3A_417, %get3A_418] {strides = array<i32>} : memref<128x128xf32, #tpu.memory_space<vmem>>, vector<16xf32>,
        %mul3A_420 = arith.mulf %get3A_419, %get3A_261 : vector<16xf32>
        %add3A_421 = arith.addf %add3A_403, %mul3A_420 : vector<16xf32>
        %get3A_422 = arith.constant 0 : i32
        %get3A_423 = arith.constant 0 : i32
        %get3A_424 = tpu.memref_slice %arg12[%scan3A_265, %get3A_422, %get3A_423] : memref<2x128x128xf32, #tpu.memory_space<vmem>> -> memref<1x128x128xf32, #tpu.memory_space<vmem>>
        %get3A_425 = tpu.memref_squeeze %get3A_424 : memref<1x128x128xf32, #tpu.memory_space<vmem>> -> memref<128x128xf32, #tpu.memory_space<vmem>>
        %get3A_426 = arith.index_cast %add3A_297 : i32 to index
        %get3A_427 = arith.constant 112 : index
        %get3A_428 = tpu.vector_load %get3A_425[%get3A_426, %get3A_427] {strides = array<i32>} : memref<128x128xf32, #tpu.memory_space<vmem>>, vector<16xf32>,
        %mul3A_429 = arith.mulf %get3A_428, %get3A_240 : vector<16xf32>
        %add3A_430 = arith.addf %add3A_412, %mul3A_429 : vector<16xf32>
        %get3A_431 = arith.constant 0 : i32
        %get3A_432 = arith.constant 0 : i32
        %get3A_433 = tpu.memref_slice %arg13[%scan3A_266, %get3A_431, %get3A_432] : memref<2x128x128xf32, #tpu.memory_space<vmem>> -> memref<1x128x128xf32, #tpu.memory_space<vmem>>
        %get3A_434 = tpu.memref_squeeze %get3A_433 : memref<1x128x128xf32, #tpu.memory_space<vmem>> -> memref<128x128xf32, #tpu.memory_space<vmem>>
        %get3A_435 = arith.index_cast %add3A_297 : i32 to index
        %get3A_436 = arith.constant 112 : index
        %get3A_437 = tpu.vector_load %get3A_434[%get3A_435, %get3A_436] {strides = array<i32>} : memref<128x128xf32, #tpu.memory_space<vmem>>, vector<16xf32>,
        %mul3A_438 = arith.mulf %get3A_437, %get3A_264 : vector<16xf32>
        %add3A_439 = arith.addf %add3A_421, %mul3A_438 : vector<16xf32>
        %mul3A_440 = arith.constant 16 : i32
        %mul3A_441 = arith.muli %add3A_297, %mul3A_440 : i32
        %swap3A = arith.index_cast %mul3A_441 : i32 to index
        %swap3A_442 = tpu.vector_load %arg15[%swap3A] {strides = array<i32>} : memref<2048xf32, #tpu.memory_space<vmem>>, vector<16xf32>,
        tpu.vector_store %arg15[%swap3A], %add3A_430 {strides = array<i32>} : memref<2048xf32, #tpu.memory_space<vmem>>, vector<16xf32>,
        %mul3A_443 = arith.constant 16 : i32
        %mul3A_444 = arith.muli %add3A_297, %mul3A_443 : i32
        %swap3A_445 = arith.index_cast %mul3A_444 : i32 to index
        %swap3A_446 = tpu.vector_load %arg17[%swap3A_445] {strides = array<i32>} : memref<2048xf32, #tpu.memory_space<vmem>>, vector<16xf32>,
        tpu.vector_store %arg17[%swap3A_445], %add3A_439 {strides = array<i32>} : memref<2048xf32, #tpu.memory_space<vmem>>, vector<16xf32>,
      }
      %scan3A_271 = arith.constant 128 : i32
      %mul3A_272 = arith.constant 128 : i32
      %mul3A_273 = arith.muli %add3A_172, %mul3A_272 : i32
      %add3A_274 = arith.addi %mul3A_2, %mul3A_273 : i32
      %mul3A_275 = arith.constant 16 : i32
      %mul3A_276 = arith.muli %add3A_274, %mul3A_275 : i32
      %ge3A_277 = arith.constant 2 : i32
      %ge3A_278 = arith.cmpi sge, %add3A_172, %ge3A_277 : i32
      %convert_element_type3A_279 = arith.extui %ge3A_278 : i1 to i32
      %cond3A_280 = arith.constant 0 : i32
      %cond3A_281 = arith.cmpi ne, %convert_element_type3A_279, %cond3A_280 : i32
      scf.if %cond3A_281 {
        %dma_wait3A_293 = tpu.memref_slice %arg7[%mul3A_276] : memref<8388608xf32, #tpu.memory_space<hbm>> -> memref<2048xf32, #tpu.memory_space<hbm>>
        %dma_wait3A_294 = tpu.memref_slice %arg7[%mul3A_276] : memref<8388608xf32, #tpu.memory_space<hbm>> -> memref<2048xf32, #tpu.memory_space<hbm>>
        tpu.wait_dma2 semaphore(%arg23 : memref<!tpu.dma_semaphore, #tpu.memory_space<semaphore_mem>>) src(%arg15 : memref<2048xf32, #tpu.memory_space<vmem>>) dst(%dma_wait3A_294 : memref<2048xf32, #tpu.memory_space<hbm>>)
        %dma_wait3A_295 = tpu.memref_slice %arg8[%mul3A_276] : memref<8388608xf32, #tpu.memory_space<hbm>> -> memref<2048xf32, #tpu.memory_space<hbm>>
        %dma_wait3A_296 = tpu.memref_slice %arg8[%mul3A_276] : memref<8388608xf32, #tpu.memory_space<hbm>> -> memref<2048xf32, #tpu.memory_space<hbm>>
        tpu.wait_dma2 semaphore(%arg25 : memref<!tpu.dma_semaphore, #tpu.memory_space<semaphore_mem>>) src(%arg17 : memref<2048xf32, #tpu.memory_space<vmem>>) dst(%dma_wait3A_296 : memref<2048xf32, #tpu.memory_space<hbm>>)
      } else {
      }
      %dma_start3A_282 = tpu.memref_slice %arg7[%mul3A_276] : memref<8388608xf32, #tpu.memory_space<hbm>> -> memref<2048xf32, #tpu.memory_space<hbm>>
      %dma_start3A_283 = tpu.memref_slice %arg7[%mul3A_276] : memref<8388608xf32, #tpu.memory_space<hbm>> -> memref<2048xf32, #tpu.memory_space<hbm>>
      tpu.enqueue_dma source(%arg15 : memref<2048xf32, #tpu.memory_space<vmem>>) target(%dma_start3A_283 : memref<2048xf32, #tpu.memory_space<hbm>>) target_semaphore(%arg23 : memref<!tpu.dma_semaphore, #tpu.memory_space<semaphore_mem>>)
      %dma_start3A_284 = tpu.memref_slice %arg8[%mul3A_276] : memref<8388608xf32, #tpu.memory_space<hbm>> -> memref<2048xf32, #tpu.memory_space<hbm>>
      %dma_start3A_285 = tpu.memref_slice %arg8[%mul3A_276] : memref<8388608xf32, #tpu.memory_space<hbm>> -> memref<2048xf32, #tpu.memory_space<hbm>>
      tpu.enqueue_dma source(%arg17 : memref<2048xf32, #tpu.memory_space<vmem>>) target(%dma_start3A_285 : memref<2048xf32, #tpu.memory_space<hbm>>) target_semaphore(%arg25 : memref<!tpu.dma_semaphore, #tpu.memory_space<semaphore_mem>>)
      %add3A_286 = arith.constant 2 : i32
      %add3A_287 = arith.addi %add3A_172, %add3A_286 : i32
      %lt3A_288 = arith.constant 128 : i32
      %lt3A_289 = arith.cmpi slt, %add3A_287, %lt3A_288 : i32
      %convert_element_type3A_290 = arith.extui %lt3A_289 : i1 to i32
      %cond3A_291 = arith.constant 0 : i32
      %cond3A_292 = arith.cmpi ne, %convert_element_type3A_290, %cond3A_291 : i32
      scf.if %cond3A_292 {
        %add3A_293 = arith.constant 2 : i32
        %add3A_294 = arith.addi %add3A_172, %add3A_293 : i32
        %mul3A_295 = arith.constant 128 : i32
        %mul3A_296 = arith.muli %add3A_294, %mul3A_295 : i32
        %dma_start3A_297 = arith.constant 1 : i32
        %dma_start3A_298 = arith.constant 0 : i32
        %dma_start3A_299 = arith.constant 0 : i32
        %dma_start3A_300 = tpu.memref_slice %arg12[%dma_start3A_297, %dma_start3A_298, %dma_start3A_299] : memref<2x128x128xf32, #tpu.memory_space<vmem>> -> memref<1x128x128xf32, #tpu.memory_space<vmem>>
        %dma_start3A_301 = tpu.memref_squeeze %dma_start3A_300 : memref<1x128x128xf32, #tpu.memory_space<vmem>> -> memref<128x128xf32, #tpu.memory_space<vmem>>
        %dma_start3A_302 = tpu.memref_slice %arg9[%mul3A_296] : memref<16384xi32, #tpu.memory_space<vmem>> -> memref<128xi32, #tpu.memory_space<vmem>>
        %dma_start3A_303 = arith.constant 0 : i32
        %dma_start3A_304 = arith.constant 0 : i32
        %dma_start3A_305 = tpu.memref_slice %arg2[%dma_start3A_303, %dma_start3A_304] : memref<1000000x128xf32, #tpu.memory_space<hbm>> -> memref<1000000x128xf32, #tpu.memory_space<hbm>>
        tpu.enqueue_indirect_dma source(%dma_start3A_305 : memref<1000000x128xf32, #tpu.memory_space<hbm>>) target(%dma_start3A_301 : memref<128x128xf32, #tpu.memory_space<vmem>>) offsets(%dma_start3A_302 : memref<128xi32, #tpu.memory_space<vmem>>) semaphore(%arg19 : memref<!tpu.dma_semaphore, #tpu.memory_space<semaphore_mem>>)
        %dma_start3A_306 = arith.constant 1 : i32
        %dma_start3A_307 = arith.constant 0 : i32
        %dma_start3A_308 = arith.constant 0 : i32
        %dma_start3A_309 = tpu.memref_slice %arg13[%dma_start3A_306, %dma_start3A_307, %dma_start3A_308] : memref<2x128x128xf32, #tpu.memory_space<vmem>> -> memref<1x128x128xf32, #tpu.memory_space<vmem>>
        %dma_start3A_310 = tpu.memref_squeeze %dma_start3A_309 : memref<1x128x128xf32, #tpu.memory_space<vmem>> -> memref<128x128xf32, #tpu.memory_space<vmem>>
        %dma_start3A_311 = tpu.memref_slice %arg9[%mul3A_296] : memref<16384xi32, #tpu.memory_space<vmem>> -> memref<128xi32, #tpu.memory_space<vmem>>
        %dma_start3A_312 = arith.constant 0 : i32
        %dma_start3A_313 = arith.constant 0 : i32
        %dma_start3A_314 = tpu.memref_slice %arg3[%dma_start3A_312, %dma_start3A_313] : memref<1000000x128xf32, #tpu.memory_space<hbm>> -> memref<1000000x128xf32, #tpu.memory_space<hbm>>
        tpu.enqueue_indirect_dma source(%dma_start3A_314 : memref<1000000x128xf32, #tpu.memory_space<hbm>>) target(%dma_start3A_310 : memref<128x128xf32, #tpu.memory_space<vmem>>) offsets(%dma_start3A_311 : memref<128xi32, #tpu.memory_space<vmem>>) semaphore(%arg21 : memref<!tpu.dma_semaphore, #tpu.memory_space<semaphore_mem>>)
      } else {
      }
    }
    %scan3A_49 = arith.constant 64 : i32
    %mul3A_50 = arith.constant 16 : i32
    %mul3A_51 = arith.muli %mul3A_2, %mul3A_50 : i32
    %dma_wait3A = tpu.memref_slice %arg7[%mul3A_51] : memref<8388608xf32, #tpu.memory_space<hbm>> -> memref<2048xf32, #tpu.memory_space<hbm>>
    %dma_wait3A_52 = tpu.memref_slice %arg7[%mul3A_51] : memref<8388608xf32, #tpu.memory_space<hbm>> -> memref<2048xf32, #tpu.memory_space<hbm>>
    tpu.wait_dma2 semaphore(%arg22 : memref<!tpu.dma_semaphore, #tpu.memory_space<semaphore_mem>>) src(%arg14 : memref<2048xf32, #tpu.memory_space<vmem>>) dst(%dma_wait3A_52 : memref<2048xf32, #tpu.memory_space<hbm>>)
    %dma_wait3A_53 = tpu.memref_slice %arg8[%mul3A_51] : memref<8388608xf32, #tpu.memory_space<hbm>> -> memref<2048xf32, #tpu.memory_space<hbm>>
    %dma_wait3A_54 = tpu.memref_slice %arg8[%mul3A_51] : memref<8388608xf32, #tpu.memory_space<hbm>> -> memref<2048xf32, #tpu.memory_space<hbm>>
    tpu.wait_dma2 semaphore(%arg24 : memref<!tpu.dma_semaphore, #tpu.memory_space<semaphore_mem>>) src(%arg16 : memref<2048xf32, #tpu.memory_space<vmem>>) dst(%dma_wait3A_54 : memref<2048xf32, #tpu.memory_space<hbm>>)
    %dma_wait3A_55 = tpu.memref_slice %arg7[%mul3A_51] : memref<8388608xf32, #tpu.memory_space<hbm>> -> memref<2048xf32, #tpu.memory_space<hbm>>
    %dma_wait3A_56 = tpu.memref_slice %arg7[%mul3A_51] : memref<8388608xf32, #tpu.memory_space<hbm>> -> memref<2048xf32, #tpu.memory_space<hbm>>
    tpu.wait_dma2 semaphore(%arg23 : memref<!tpu.dma_semaphore, #tpu.memory_space<semaphore_mem>>) src(%arg15 : memref<2048xf32, #tpu.memory_space<vmem>>) dst(%dma_wait3A_56 : memref<2048xf32, #tpu.memory_space<hbm>>)
    %dma_wait3A_57 = tpu.memref_slice %arg8[%mul3A_51] : memref<8388608xf32, #tpu.memory_space<hbm>> -> memref<2048xf32, #tpu.memory_space<hbm>>
    %dma_wait3A_58 = tpu.memref_slice %arg8[%mul3A_51] : memref<8388608xf32, #tpu.memory_space<hbm>> -> memref<2048xf32, #tpu.memory_space<hbm>>
    tpu.wait_dma2 semaphore(%arg25 : memref<!tpu.dma_semaphore, #tpu.memory_space<semaphore_mem>>) src(%arg17 : memref<2048xf32, #tpu.memory_space<vmem>>) dst(%dma_wait3A_58 : memref<2048xf32, #tpu.memory_space<hbm>>)
    return
  }
}

module attributes {stable_mosaic.version = 14 : i64} {
  func.func @body(%arg0: i32, %arg1: i32, %arg2: memref<8192x128xf32, #tpu.memory_space<vmem>>, %arg3: memref<8192x128xf32, #tpu.memory_space<vmem>>, %arg4: memref<128x128xf32, #tpu.memory_space<vmem>>, %arg5: memref<1x1xf32, #tpu.memory_space<vmem>>, %arg6: memref<2xf32, #tpu.memory_space<smem>>) attributes {dimension_semantics = [#tpu.dimension_semantics<arbitrary>, #tpu.dimension_semantics<arbitrary>], iteration_bounds = array<i64: 2, 8>, scalar_prefetch = 0 : i64, scratch_operands = 1 : i64, tpu.core_type = #tpu.core_type<tc>, window_params = [{transform_indices = @transform_0, window_bounds = array<i64: 8192, 128>}, {transform_indices = @transform_1, window_bounds = array<i64: 8192, 128>}, {pipeline_mode = #tpu.pipeline_mode<synchronous>, transform_indices = @transform_2, window_bounds = array<i64: 128, 128>}, {pipeline_mode = #tpu.pipeline_mode<synchronous>, transform_indices = @transform_3, window_bounds = array<i64: 1, 1>}]} {
    %iota3A = tpu.iota {dimensions = array<i32: 0>} : vector<8192x128xi32>
    %iota3A_0 = tpu.iota {dimensions = array<i32: 1>} : vector<8192x128xi32>
    %jit3A = arith.constant 16 : i32
    %eq3A = arith.constant 0 : i32
    %eq3A_1 = arith.cmpi eq, %jit3A, %eq3A : i32
    %jit3A_2 = arith.constant 1 : i32
    %select_n3A = arith.select %eq3A_1, %jit3A_2, %jit3A : i32
    %rem3A = vector.broadcast %select_n3A : i32 to vector<8192x128xi32>
    %rem3A_3 = arith.remsi %iota3A_0, %rem3A : vector<8192x128xi32>
    %ne3A = arith.constant 0 : i32
    %ne3A_4 = vector.broadcast %ne3A : i32 to vector<8192x128xi32>
    %ne3A_5 = arith.cmpi ne, %rem3A_3, %ne3A_4 : vector<8192x128xi32>
    %lt3A = arith.constant 0 : i32
    %lt3A_6 = vector.broadcast %lt3A : i32 to vector<8192x128xi32>
    %lt3A_7 = arith.cmpi slt, %rem3A_3, %lt3A_6 : vector<8192x128xi32>
    %lt3A_8 = arith.constant 0 : i32
    %lt3A_9 = arith.cmpi slt, %select_n3A, %lt3A_8 : i32
    %ne3A_10 = vector.broadcast %lt3A_9 : i1 to vector<8192x128xi1>
    %ne3A_11 = vector.broadcast %ne3A_10 : vector<8192x128xi1> to vector<8192x128xi1>
    %ne3A_12 = arith.xori %lt3A_7, %ne3A_11 : vector<8192x128xi1>
    %and3A = arith.andi %ne3A_12, %ne3A_5 : vector<8192x128xi1>
    %add3A = vector.broadcast %select_n3A : i32 to vector<8192x128xi32>
    %add3A_13 = arith.addi %rem3A_3, %add3A : vector<8192x128xi32>
    %select_n3A_14 = arith.select %and3A, %add3A_13, %rem3A_3 : vector<8192x128xi1>, vector<8192x128xi32>
    %eq3A_15 = arith.constant 0 : i32
    %eq3A_16 = vector.broadcast %eq3A_15 : i32 to vector<8192x128xi32>
    %eq3A_17 = arith.cmpi eq, %select_n3A_14, %eq3A_16 : vector<8192x128xi32>
    %eq3A_18 = arith.constant 0 : i32
    %eq3A_19 = vector.broadcast %eq3A_18 : i32 to vector<8192x128xi32>
    %eq3A_20 = arith.cmpi eq, %iota3A_0, %eq3A_19 : vector<8192x128xi32>
    %jit3A_21 = arith.constant 64 : i32
    %eq3A_22 = arith.constant 0 : i32
    %eq3A_23 = arith.cmpi eq, %jit3A_21, %eq3A_22 : i32
    %jit3A_24 = arith.constant 1 : i32
    %select_n3A_25 = arith.select %eq3A_23, %jit3A_24, %jit3A_21 : i32
    %rem3A_26 = vector.broadcast %select_n3A_25 : i32 to vector<8192x128xi32>
    %rem3A_27 = arith.remsi %iota3A, %rem3A_26 : vector<8192x128xi32>
    %ne3A_28 = arith.constant 0 : i32
    %ne3A_29 = vector.broadcast %ne3A_28 : i32 to vector<8192x128xi32>
    %ne3A_30 = arith.cmpi ne, %rem3A_27, %ne3A_29 : vector<8192x128xi32>
    %lt3A_31 = arith.constant 0 : i32
    %lt3A_32 = vector.broadcast %lt3A_31 : i32 to vector<8192x128xi32>
    %lt3A_33 = arith.cmpi slt, %rem3A_27, %lt3A_32 : vector<8192x128xi32>
    %lt3A_34 = arith.constant 0 : i32
    %lt3A_35 = arith.cmpi slt, %select_n3A_25, %lt3A_34 : i32
    %ne3A_36 = vector.broadcast %lt3A_35 : i1 to vector<8192x128xi1>
    %ne3A_37 = vector.broadcast %ne3A_36 : vector<8192x128xi1> to vector<8192x128xi1>
    %ne3A_38 = arith.xori %lt3A_33, %ne3A_37 : vector<8192x128xi1>
    %and3A_39 = arith.andi %ne3A_38, %ne3A_30 : vector<8192x128xi1>
    %add3A_40 = vector.broadcast %select_n3A_25 : i32 to vector<8192x128xi32>
    %add3A_41 = arith.addi %rem3A_27, %add3A_40 : vector<8192x128xi32>
    %select_n3A_42 = arith.select %and3A_39, %add3A_41, %rem3A_27 : vector<8192x128xi1>, vector<8192x128xi32>
    %eq3A_43 = arith.constant 0 : i32
    %eq3A_44 = vector.broadcast %eq3A_43 : i32 to vector<8192x128xi32>
    %eq3A_45 = arith.cmpi eq, %select_n3A_42, %eq3A_44 : vector<8192x128xi32>
    %and3A_46 = arith.andi %eq3A_20, %eq3A_45 : vector<8192x128xi1>
    %get3A = arith.constant 0 : index
    %get3A_47 = arith.constant 0 : index
    %get3A_48 = vector.load %arg2[%get3A, %get3A_47] : memref<8192x128xf32, #tpu.memory_space<vmem>>, vector<8192x128xf32>
    %get3A_49 = arith.constant 0 : index
    %get3A_50 = arith.constant 0 : index
    %get3A_51 = vector.load %arg4[%get3A_49, %get3A_50] : memref<128x128xf32, #tpu.memory_space<vmem>>, vector<128x128xf32>
    %dot_general3A = arith.constant dense<0.000000e+00> : vector<8192x128xf32>
    %dot_general3A_52 = tpu.matmul %get3A_48, %get3A_51, %dot_general3A {dimension_numbers = #tpu.dot_dimension_numbers<[1], [0], [0], [1], [0, 0, 1, 1], [], []>, transpose_lhs_hint = false} : vector<8192x128xf32>, vector<128x128xf32>, vector<8192x128xf32> -> vector<8192x128xf32>
    %mul3A = arith.constant 14.2857141 : f32
    %mul3A_53 = vector.broadcast %mul3A : f32 to vector<8192x128xf32>
    %mul3A_54 = arith.mulf %dot_general3A_52, %mul3A_53 : vector<8192x128xf32>
    %get3A_55 = arith.constant 0 : index
    %get3A_56 = arith.constant 0 : index
    %get3A_57 = vector.load %arg3[%get3A_55, %get3A_56] : memref<8192x128xf32, #tpu.memory_space<vmem>>, vector<8192x128xf32>
    %get3A_58 = arith.constant 0 : index
    %get3A_59 = arith.constant 0 : index
    %get3A_60 = vector.load %arg4[%get3A_58, %get3A_59] : memref<128x128xf32, #tpu.memory_space<vmem>>, vector<128x128xf32>
    %dot_general3A_61 = arith.constant dense<0.000000e+00> : vector<8192x128xf32>
    %dot_general3A_62 = tpu.matmul %get3A_57, %get3A_60, %dot_general3A_61 {dimension_numbers = #tpu.dot_dimension_numbers<[1], [0], [0], [1], [0, 0, 1, 1], [], []>, transpose_lhs_hint = false} : vector<8192x128xf32>, vector<128x128xf32>, vector<8192x128xf32> -> vector<8192x128xf32>
    %mul3A_63 = arith.constant 14.2857141 : f32
    %mul3A_64 = vector.broadcast %mul3A_63 : f32 to vector<8192x128xf32>
    %mul3A_65 = arith.mulf %dot_general3A_62, %mul3A_64 : vector<8192x128xf32>
    %exp3A = math.exp %mul3A_54 : vector<8192x128xf32>
    %exp3A_66 = math.exp %mul3A_65 : vector<8192x128xf32>
    %eq3A_67 = arith.constant 0 : i32
    %eq3A_68 = arith.cmpi eq, %arg0, %eq3A_67 : i32
    %eq3A_69 = arith.constant 0 : i32
    %eq3A_70 = arith.cmpi eq, %arg1, %eq3A_69 : i32
    %and3A_71 = arith.andi %eq3A_68, %eq3A_70 : i1
    %convert_element_type3A = arith.extui %and3A_71 : i1 to i32
    %cond3A = arith.constant 0 : i32
    %cond3A_72 = arith.cmpi ne, %convert_element_type3A, %cond3A : i32
    scf.if %cond3A_72 {
      %swap3A = arith.constant 0.000000e+00 : f32
      %swap3A_83 = arith.constant 0 : index
      %swap3A_84 = memref.load %arg6[%swap3A_83] : memref<2xf32, #tpu.memory_space<smem>>
      memref.store %swap3A, %arg6[%swap3A_83] : memref<2xf32, #tpu.memory_space<smem>>
      %swap3A_85 = arith.constant 0.000000e+00 : f32
      %swap3A_86 = arith.constant 1 : index
      %swap3A_87 = memref.load %arg6[%swap3A_86] : memref<2xf32, #tpu.memory_space<smem>>
      memref.store %swap3A_85, %arg6[%swap3A_86] : memref<2xf32, #tpu.memory_space<smem>>
      %broadcast_in_dim3A = arith.constant 0.000000e+00 : f32
      %broadcast_in_dim3A_88 = vector.broadcast %broadcast_in_dim3A : f32 to vector<1x1xf32>
      %swap3A_89 = arith.constant 0 : index
      %swap3A_90 = arith.constant 0 : index
      %swap3A_91 = vector.load %arg5[%swap3A_89, %swap3A_90] : memref<1x1xf32, #tpu.memory_space<vmem>>, vector<1x1xf32>
      tpu.vector_store %arg5[%swap3A_89, %swap3A_90], %broadcast_in_dim3A_88 {strides = array<i32>} : memref<1x1xf32, #tpu.memory_space<vmem>>, vector<1x1xf32>,
    } else {
    }
    %eq3A_73 = arith.constant 0 : i32
    %eq3A_74 = arith.cmpi eq, %arg0, %eq3A_73 : i32
    %convert_element_type3A_75 = arith.extui %eq3A_74 : i1 to i32
    %cond3A_76 = arith.constant 0 : i32
    %cond3A_77 = arith.cmpi ne, %convert_element_type3A_75, %cond3A_76 : i32
    scf.if %cond3A_77 {
      %get3A_83 = arith.constant 0 : index
      %get3A_84 = memref.load %arg6[%get3A_83] : memref<2xf32, #tpu.memory_space<smem>>
      %reduce_sum3A = vector.shape_cast %exp3A : vector<8192x128xf32> to vector<1x8192x128xf32>
      %reduce_sum3A_85 = arith.constant dense<0.000000e+00> : vector<1xf32>
      %reduce_sum3A_86 = vector.multi_reduction <add>, %reduce_sum3A, %reduce_sum3A_85 [1, 2] : vector<1x8192x128xf32> to vector<1xf32>
      %reduce_sum3A_87 = vector.shape_cast %reduce_sum3A_86 : vector<1xf32> to vector<1x1x1xf32>
      %reduce_sum3A_88 = vector.extract %reduce_sum3A_87[0, 0, 0] : f32 from vector<1x1x1xf32>
      %sub3A = arith.constant 9.830400e+05 : f32
      %sub3A_89 = arith.subf %reduce_sum3A_88, %sub3A : f32
      %add3A_90 = arith.addf %get3A_84, %sub3A_89 : f32
      %swap3A = arith.constant 0 : index
      %swap3A_91 = memref.load %arg6[%swap3A] : memref<2xf32, #tpu.memory_space<smem>>
      memref.store %add3A_90, %arg6[%swap3A] : memref<2xf32, #tpu.memory_space<smem>>
      %get3A_92 = arith.constant 1 : index
      %get3A_93 = memref.load %arg6[%get3A_92] : memref<2xf32, #tpu.memory_space<smem>>
      %reduce_sum3A_94 = vector.shape_cast %exp3A_66 : vector<8192x128xf32> to vector<1x8192x128xf32>
      %reduce_sum3A_95 = arith.constant dense<0.000000e+00> : vector<1xf32>
      %reduce_sum3A_96 = vector.multi_reduction <add>, %reduce_sum3A_94, %reduce_sum3A_95 [1, 2] : vector<1x8192x128xf32> to vector<1xf32>
      %reduce_sum3A_97 = vector.shape_cast %reduce_sum3A_96 : vector<1xf32> to vector<1x1x1xf32>
      %reduce_sum3A_98 = vector.extract %reduce_sum3A_97[0, 0, 0] : f32 from vector<1x1x1xf32>
      %sub3A_99 = arith.constant 9.830400e+05 : f32
      %sub3A_100 = arith.subf %reduce_sum3A_98, %sub3A_99 : f32
      %add3A_101 = arith.addf %get3A_93, %sub3A_100 : f32
      %swap3A_102 = arith.constant 1 : index
      %swap3A_103 = memref.load %arg6[%swap3A_102] : memref<2xf32, #tpu.memory_space<smem>>
      memref.store %add3A_101, %arg6[%swap3A_102] : memref<2xf32, #tpu.memory_space<smem>>
    } else {
    }
    %eq3A_78 = arith.constant 1 : i32
    %eq3A_79 = arith.cmpi eq, %arg0, %eq3A_78 : i32
    %convert_element_type3A_80 = arith.extui %eq3A_79 : i1 to i32
    %cond3A_81 = arith.constant 0 : i32
    %cond3A_82 = arith.cmpi ne, %convert_element_type3A_80, %cond3A_81 : i32
    scf.if %cond3A_82 {
      %get3A_83 = arith.constant 0 : index
      %get3A_84 = memref.load %arg6[%get3A_83] : memref<2xf32, #tpu.memory_space<smem>>
      %mul3A_85 = arith.constant 1.90734863 : f32
      %mul3A_86 = arith.mulf %get3A_84, %mul3A_85 : f32
      %div3A = vector.broadcast %mul3A_86 : f32 to vector<8192x128xf32>
      %div3A_87 = arith.divf %exp3A, %div3A : vector<8192x128xf32>
      %add3A_88 = arith.constant 5.111000e-04 : f32
      %add3A_89 = vector.broadcast %add3A_88 : f32 to vector<8192x128xf32>
      %add3A_90 = arith.addf %div3A_87, %add3A_89 : vector<8192x128xf32>
      %log3A = math.log %add3A_90 : vector<8192x128xf32>
      %sub3A = arith.constant -7.57914114 : f32
      %sub3A_91 = vector.broadcast %sub3A : f32 to vector<8192x128xf32>
      %sub3A_92 = arith.subf %sub3A_91, %log3A : vector<8192x128xf32>
      %eq3A_93 = arith.constant 0.000000e+00 : f32
      %eq3A_94 = vector.broadcast %eq3A_93 : f32 to vector<8192x128xf32>
      %eq3A_95 = arith.cmpf oeq, %div3A_87, %eq3A_94 : vector<8192x128xf32>
      %log3A_96 = math.log %mul3A_86 : f32
      %sub3A_97 = vector.broadcast %log3A_96 : f32 to vector<8192x128xf32>
      %sub3A_98 = arith.subf %mul3A_54, %sub3A_97 : vector<8192x128xf32>
      %jit3A_99 = arith.constant 0xFF800000 : f32
      %broadcast_in_dim3A = vector.broadcast %jit3A_99 : f32 to vector<8192x128xf32>
      %select_n3A_100 = arith.select %eq3A_95, %broadcast_in_dim3A, %sub3A_98 : vector<8192x128xi1>, vector<8192x128xf32>
      %sub3A_101 = arith.subf %select_n3A_100, %log3A : vector<8192x128xf32>
      %jit3A_102 = arith.constant 0.000000e+00 : f32
      %broadcast_in_dim3A_103 = vector.broadcast %jit3A_102 : f32 to vector<8192x128xf32>
      %select_n3A_104 = arith.select %and3A_46, %sub3A_101, %broadcast_in_dim3A_103 : vector<8192x128xi1>, vector<8192x128xf32>
      %reduce_sum3A = vector.shape_cast %select_n3A_104 : vector<8192x128xf32> to vector<1x8192x128xf32>
      %reduce_sum3A_105 = arith.constant dense<0.000000e+00> : vector<1xf32>
      %reduce_sum3A_106 = vector.multi_reduction <add>, %reduce_sum3A, %reduce_sum3A_105 [1, 2] : vector<1x8192x128xf32> to vector<1xf32>
      %reduce_sum3A_107 = vector.shape_cast %reduce_sum3A_106 : vector<1xf32> to vector<1x1x1xf32>
      %reduce_sum3A_108 = vector.extract %reduce_sum3A_107[0, 0, 0] : f32 from vector<1x1x1xf32>
      %jit3A_109 = arith.constant 0.000000e+00 : f32
      %broadcast_in_dim3A_110 = vector.broadcast %jit3A_109 : f32 to vector<8192x128xf32>
      %select_n3A_111 = arith.select %eq3A_17, %sub3A_92, %broadcast_in_dim3A_110 : vector<8192x128xi1>, vector<8192x128xf32>
      %reduce_sum3A_112 = vector.shape_cast %select_n3A_111 : vector<8192x128xf32> to vector<1x8192x128xf32>
      %reduce_sum3A_113 = arith.constant dense<0.000000e+00> : vector<1xf32>
      %reduce_sum3A_114 = vector.multi_reduction <add>, %reduce_sum3A_112, %reduce_sum3A_113 [1, 2] : vector<1x8192x128xf32> to vector<1xf32>
      %reduce_sum3A_115 = vector.shape_cast %reduce_sum3A_114 : vector<1xf32> to vector<1x1x1xf32>
      %reduce_sum3A_116 = vector.extract %reduce_sum3A_115[0, 0, 0] : f32 from vector<1x1x1xf32>
      %add3A_117 = arith.addf %reduce_sum3A_108, %reduce_sum3A_116 : f32
      %jit3A_118 = arith.constant 0.000000e+00 : f32
      %broadcast_in_dim3A_119 = vector.broadcast %jit3A_118 : f32 to vector<8192x128xf32>
      %select_n3A_120 = arith.select %and3A_46, %sub3A_92, %broadcast_in_dim3A_119 : vector<8192x128xi1>, vector<8192x128xf32>
      %reduce_sum3A_121 = vector.shape_cast %select_n3A_120 : vector<8192x128xf32> to vector<1x8192x128xf32>
      %reduce_sum3A_122 = arith.constant dense<0.000000e+00> : vector<1xf32>
      %reduce_sum3A_123 = vector.multi_reduction <add>, %reduce_sum3A_121, %reduce_sum3A_122 [1, 2] : vector<1x8192x128xf32> to vector<1xf32>
      %reduce_sum3A_124 = vector.shape_cast %reduce_sum3A_123 : vector<1xf32> to vector<1x1x1xf32>
      %reduce_sum3A_125 = vector.extract %reduce_sum3A_124[0, 0, 0] : f32 from vector<1x1x1xf32>
      %sub3A_126 = arith.subf %add3A_117, %reduce_sum3A_125 : f32
      %get3A_127 = arith.constant 1 : index
      %get3A_128 = memref.load %arg6[%get3A_127] : memref<2xf32, #tpu.memory_space<smem>>
      %mul3A_129 = arith.constant 1.90734863 : f32
      %mul3A_130 = arith.mulf %get3A_128, %mul3A_129 : f32
      %div3A_131 = vector.broadcast %mul3A_130 : f32 to vector<8192x128xf32>
      %div3A_132 = arith.divf %exp3A_66, %div3A_131 : vector<8192x128xf32>
      %add3A_133 = arith.constant 5.111000e-04 : f32
      %add3A_134 = vector.broadcast %add3A_133 : f32 to vector<8192x128xf32>
      %add3A_135 = arith.addf %div3A_132, %add3A_134 : vector<8192x128xf32>
      %log3A_136 = math.log %add3A_135 : vector<8192x128xf32>
      %sub3A_137 = arith.constant -7.57914114 : f32
      %sub3A_138 = vector.broadcast %sub3A_137 : f32 to vector<8192x128xf32>
      %sub3A_139 = arith.subf %sub3A_138, %log3A_136 : vector<8192x128xf32>
      %eq3A_140 = arith.constant 0.000000e+00 : f32
      %eq3A_141 = vector.broadcast %eq3A_140 : f32 to vector<8192x128xf32>
      %eq3A_142 = arith.cmpf oeq, %div3A_132, %eq3A_141 : vector<8192x128xf32>
      %log3A_143 = math.log %mul3A_130 : f32
      %sub3A_144 = vector.broadcast %log3A_143 : f32 to vector<8192x128xf32>
      %sub3A_145 = arith.subf %mul3A_65, %sub3A_144 : vector<8192x128xf32>
      %jit3A_146 = arith.constant 0xFF800000 : f32
      %broadcast_in_dim3A_147 = vector.broadcast %jit3A_146 : f32 to vector<8192x128xf32>
      %select_n3A_148 = arith.select %eq3A_142, %broadcast_in_dim3A_147, %sub3A_145 : vector<8192x128xi1>, vector<8192x128xf32>
      %sub3A_149 = arith.subf %select_n3A_148, %log3A_136 : vector<8192x128xf32>
      %jit3A_150 = arith.constant 0.000000e+00 : f32
      %broadcast_in_dim3A_151 = vector.broadcast %jit3A_150 : f32 to vector<8192x128xf32>
      %select_n3A_152 = arith.select %and3A_46, %sub3A_149, %broadcast_in_dim3A_151 : vector<8192x128xi1>, vector<8192x128xf32>
      %reduce_sum3A_153 = vector.shape_cast %select_n3A_152 : vector<8192x128xf32> to vector<1x8192x128xf32>
      %reduce_sum3A_154 = arith.constant dense<0.000000e+00> : vector<1xf32>
      %reduce_sum3A_155 = vector.multi_reduction <add>, %reduce_sum3A_153, %reduce_sum3A_154 [1, 2] : vector<1x8192x128xf32> to vector<1xf32>
      %reduce_sum3A_156 = vector.shape_cast %reduce_sum3A_155 : vector<1xf32> to vector<1x1x1xf32>
      %reduce_sum3A_157 = vector.extract %reduce_sum3A_156[0, 0, 0] : f32 from vector<1x1x1xf32>
      %jit3A_158 = arith.constant 0.000000e+00 : f32
      %broadcast_in_dim3A_159 = vector.broadcast %jit3A_158 : f32 to vector<8192x128xf32>
      %select_n3A_160 = arith.select %eq3A_17, %sub3A_139, %broadcast_in_dim3A_159 : vector<8192x128xi1>, vector<8192x128xf32>
      %reduce_sum3A_161 = vector.shape_cast %select_n3A_160 : vector<8192x128xf32> to vector<1x8192x128xf32>
      %reduce_sum3A_162 = arith.constant dense<0.000000e+00> : vector<1xf32>
      %reduce_sum3A_163 = vector.multi_reduction <add>, %reduce_sum3A_161, %reduce_sum3A_162 [1, 2] : vector<1x8192x128xf32> to vector<1xf32>
      %reduce_sum3A_164 = vector.shape_cast %reduce_sum3A_163 : vector<1xf32> to vector<1x1x1xf32>
      %reduce_sum3A_165 = vector.extract %reduce_sum3A_164[0, 0, 0] : f32 from vector<1x1x1xf32>
      %add3A_166 = arith.addf %reduce_sum3A_157, %reduce_sum3A_165 : f32
      %jit3A_167 = arith.constant 0.000000e+00 : f32
      %broadcast_in_dim3A_168 = vector.broadcast %jit3A_167 : f32 to vector<8192x128xf32>
      %select_n3A_169 = arith.select %and3A_46, %sub3A_139, %broadcast_in_dim3A_168 : vector<8192x128xi1>, vector<8192x128xf32>
      %reduce_sum3A_170 = vector.shape_cast %select_n3A_169 : vector<8192x128xf32> to vector<1x8192x128xf32>
      %reduce_sum3A_171 = arith.constant dense<0.000000e+00> : vector<1xf32>
      %reduce_sum3A_172 = vector.multi_reduction <add>, %reduce_sum3A_170, %reduce_sum3A_171 [1, 2] : vector<1x8192x128xf32> to vector<1xf32>
      %reduce_sum3A_173 = vector.shape_cast %reduce_sum3A_172 : vector<1xf32> to vector<1x1x1xf32>
      %reduce_sum3A_174 = vector.extract %reduce_sum3A_173[0, 0, 0] : f32 from vector<1x1x1xf32>
      %sub3A_175 = arith.subf %add3A_166, %reduce_sum3A_174 : f32
      %get3A_176 = arith.constant 0 : index
      %get3A_177 = arith.constant 0 : index
      %get3A_178 = vector.load %arg5[%get3A_176, %get3A_177] : memref<1x1xf32, #tpu.memory_space<vmem>>, vector<1x1xf32>
      %add3A_179 = arith.addf %sub3A_126, %sub3A_175 : f32
      %neg3A = arith.constant 0.000000e+00 : f32
      %neg3A_180 = arith.subf %neg3A, %add3A_179 : f32
      %div3A_181 = arith.constant 1.024000e+03 : f32
      %div3A_182 = arith.divf %neg3A_180, %div3A_181 : f32
      %reshape3A = vector.broadcast %div3A_182 : f32 to vector<1x1xf32>
      %add3A_183 = arith.addf %get3A_178, %reshape3A : vector<1x1xf32>
      %swap3A = arith.constant 0 : index
      %swap3A_184 = arith.constant 0 : index
      %swap3A_185 = vector.load %arg5[%swap3A, %swap3A_184] : memref<1x1xf32, #tpu.memory_space<vmem>>, vector<1x1xf32>
      tpu.vector_store %arg5[%swap3A, %swap3A_184], %add3A_183 {strides = array<i32>} : memref<1x1xf32, #tpu.memory_space<vmem>>, vector<1x1xf32>,
    } else {
    }
    return
  }
  func.func @transform_0(%arg0: i32, %arg1: i32) -> (i32, i32) {
    %c0_i32 = arith.constant 0 : i32
    %c0_i32_0 = arith.constant 0 : i32
    return %arg1, %c0_i32 : i32, i32
  }
  func.func @transform_1(%arg0: i32, %arg1: i32) -> (i32, i32) {
    %c0_i32 = arith.constant 0 : i32
    %c0_i32_0 = arith.constant 0 : i32
    return %arg1, %c0_i32 : i32, i32
  }
  func.func @transform_2(%arg0: i32, %arg1: i32) -> (i32, i32) {
    %c0_i32 = arith.constant 0 : i32
    %c0_i32_0 = arith.constant 0 : i32
    %c0_i32_1 = arith.constant 0 : i32
    return %c0_i32, %c0_i32_0 : i32, i32
  }
  func.func @transform_3(%arg0: i32, %arg1: i32) -> (i32, i32) {
    %c0_i32 = arith.constant 0 : i32
    %c0_i32_0 = arith.constant 0 : i32
    %c0_i32_1 = arith.constant 0 : i32
    return %c0_i32, %c0_i32_0 : i32, i32
  }
}

</mosaic_0001>

<sc_bundles>
// kernel: kernel.4.cloned.1.call-start
scs
__scs_entry_jumppad:
0x0: {  	(pc) =	sbr.rel $0x88, $3  }
0x1: {  	(tag) =	ssettag $0x0;
	lr =	simm.s32 $0x1  }
0x2: {  	[smem:$0x3F9C] =	sst lr;
	_ =	strace $0xD0000000  }
0x3: {  	_ = 	snop  }
0x4: {  	_ = 	snop  }
0x5: {  	_ = 	snop  }
0x6: {  	_ = 	snop  }
0x7: {  	_ = 	snop  }
__scs_overlays_trampoline_lowered:
0x8: {  	[smem:$0x3FAB] =	sst s0  }
0x9: {  	[smem:$0x3FAC] =	sst s1  }
0xa: {  	[smem:$0x3FAD] =	sst s2  }
0xb: {  	[smem:$0x3FAE] =	sst s3  }
0xc: {  	[smem:$0x3FAF] =	sst s4  }
0xd: {  	[smem:$0x3FB0] =	sst s5  }
0xe: {  	[smem:$0x3FB1] =	sst s6  }
0xf: {  	[smem:$0x3FB2] =	sst s7  }
0x10: {  	[smem:$0x3FB3] =	sst s8  }
0x11: {  	[smem:$0x3FB4] =	sst s9;
	s0 =	simm.s32 @!p0 $0x0  }
0x12: {  	s1 =	sld [smem:$0x3F9A];
	s0 =	simm.s32 @p0 $0x1  }
0x13: {  	[smem:$0x3FB5] =	sst s0;
	s0 =	simm.s32 @!p1 $0x0  }
0x14: {  	s2 =	sld [smem:$0x3F99];
	s0 =	simm.s32 @p1 $0x1  }
0x15: {  	[smem:$0x3FB6] =	sst s0;
	s0 =	simm.s32 @!p2 $0x0  }
0x16: {  	s3 =	sld [smem:$0x3FDB];
	s0 =	simm.s32 @p2 $0x1  }
0x17: {  	s4 =	simm.s32 $0x1BF5;
	[smem:$0x3FB8] =	sst s0  }
0x18: {  	s0 =	sld [smem:$0x3F9B];
	_ =	swait.ge [sflag:s4], $0x0  }
0x19: {  	s7 =	sld [smem:$0x3F9C]  }
0x1a: {  	s8 =	sadd.s32 $0xFFFFE003, lr  }
0x1b: {  	s9 =	sadd.s32 $0xFFFFFEF7, lr;
	s5 =	simm.s32 $0xFFFFFFFF;
	p2 =	slt.u32 s8, $0xFFFFF086  }
0x1c: {  	p1 =	slt.u32 s9, $0xF7A;
	s5 =	simm.s32 @!p2 $0x0  }
0x1d: {  	s5 =	simm.s32 @p1 $0x1;
	p0 =	seq.s32 s7, s2  }
0x1e: {  	s7 =	smul.u32 @!p0 $0xF7A, s2;
	p2 =	seq.s32 @!p0 s5, $0x0  }
0x1f: {  	s9 =	smul.u32 $0xF7A, s1;
	s8 =	simm.s32 @!p0 $0x1BF5;
	p2 =	por !p2, p0  }
0x20: {  	[sflag:s8] =	ssyncset.s32 @!p0 $0xFFFFF086;
	s6 =	sadd.s32 @!p0 s3, s7;
	s7 =	simm.s32 @!p0 $0x108  }
0x21: {  	s3 =	sadd.s32 s3, s9;
	s6 =	sadd.s32 @!p0 $0x88, s6;
	s7 =	simm.s32 @p2 $0x1082  }
0x22: {  	[simem:s7], [sflag:s8] =	dma.local @!p0 [hbm:s6], $0xF7A  }
0x23: {  	s9 =	sor.u32 $0xD0000000, s2;
	s6 =	simm.s32 $0x108;
	_ =	swait.ge @!p0 [sflag:s8], $0x0  }
0x24: {  	s3 =	sadd.s32 $0x88, s3;
	s6 =	simm.s32 @!p1 $0x1082;
	[sflag:s4] =	ssyncset.s32 $0xFFFFF086  }
0x25: {  	[simem:s6], [sflag:s4] =	dma.local [hbm:s3], $0xF7A  }
0x26: {  	[smem:$0x3F9C] =	sst s1;
	(tag) =	ssettag s2;
	_ =	strace s9  }
0x27: {  	s1 =	sld [smem:$0x3FAC]  }
0x28: {  	s2 =	sld [smem:$0x3FAD]  }
0x29: {  	s4 =	sld [smem:$0x3FAF]  }
0x2a: {  	p0 =	seq.s32 s5, $0x0;
	s5 =	sld [smem:$0x3FB0]  }
0x2b: {  	s6 =	sld [smem:$0x3FB1]  }
0x2c: {  	s7 =	sld [smem:$0x3FB2]  }
0x2d: {  	s3 =	simm.s32 $0x108;
	s8 =	sld [smem:$0x3FB3]  }
0x2e: {  	s3 =	simm.s32 @!p0 $0x1082;
	s9 =	sld [smem:$0x3FB4]  }
0x2f: {  	lr =	sadd.s32 s0, s3;
	s0 =	sld [smem:$0x3FAB]  }
0x30: {  	s3 =	sld [smem:$0x3FAE]  }
0x31: {  	[smem:$0x3FB7] =	sst s10  }
0x32: {  	s10 =	sld [smem:$0x3FB5];
	_ =	sdelay $0x3  }
0x33: {  	p0 =	seq.s32 s10, $0x1;
	s10 =	sld [smem:$0x3FB7];
	_ =	sdelay $0x3  }
0x34: {  	[smem:$0x3FB7] =	sst s10  }
0x35: {  	s10 =	sld [smem:$0x3FB6];
	_ =	sdelay $0x3  }
0x36: {  	p1 =	seq.s32 s10, $0x1;
	s10 =	sld [smem:$0x3FB7];
	_ =	sdelay $0x3  }
0x37: {  	[smem:$0x3FB7] =	sst s10  }
0x38: {  	s10 =	sld [smem:$0x3FB8]  }
0x39: {  	_ = 	snop;
	(pc) =	sbr.ind lr, $3  }
0x3a: {  	_ = 	snop  }
0x3b: {  	_ = 	snop  }
0x3c: {  	p2 =	seq.s32 s10, $0x1;
	s10 =	sld [smem:$0x3FB7]  }
0x3d: {  	_ =	shalt  }
0x3e: {  	_ =	shalt  }
0x3f: {  	_ =	shalt  }
0x40: {  	_ =	shalt  }
0x41: {  	_ =	shalt  }
0x42: {  	_ =	shalt  }
0x43: {  	_ =	shalt  }
0x44: {  	_ =	shalt  }
0x45: {  	_ =	shalt  }
0x46: {  	_ =	shalt  }
0x47: {  	_ =	shalt  }
0x48: {  	_ =	shalt  }
0x49: {  	_ =	shalt  }
0x4a: {  	_ =	shalt  }
0x4b: {  	_ =	shalt  }
0x4c: {  	_ =	shalt  }
0x4d: {  	_ =	shalt  }
0x4e: {  	_ =	shalt  }
0x4f: {  	_ =	shalt  }
0x50: {  	_ =	shalt  }
0x51: {  	_ =	shalt  }
0x52: {  	_ =	shalt  }
0x53: {  	_ =	shalt  }
0x54: {  	_ =	shalt  }
0x55: {  	_ =	shalt  }
0x56: {  	_ =	shalt  }
0x57: {  	_ =	shalt  }
0x58: {  	_ =	shalt  }
0x59: {  	_ =	shalt  }
0x5a: {  	_ =	shalt  }
0x5b: {  	_ =	shalt  }
0x5c: {  	_ =	shalt  }
0x5d: {  	_ =	shalt  }
0x5e: {  	_ =	shalt  }
0x5f: {  	_ =	shalt  }
0x60: {  	_ =	shalt  }
0x61: {  	_ =	shalt  }
0x62: {  	_ =	shalt  }
0x63: {  	_ =	shalt  }
0x64: {  	_ =	shalt  }
0x65: {  	_ =	shalt  }
0x66: {  	_ =	shalt  }
0x67: {  	_ =	shalt  }
0x68: {  	_ =	shalt  }
0x69: {  	_ =	shalt  }
0x6a: {  	_ =	shalt  }
0x6b: {  	_ =	shalt  }
0x6c: {  	_ =	shalt  }
0x6d: {  	_ =	shalt  }
0x6e: {  	_ =	shalt  }
0x6f: {  	_ =	shalt  }
0x70: {  	_ =	shalt  }
0x71: {  	_ =	shalt  }
0x72: {  	_ =	shalt  }
0x73: {  	_ =	shalt  }
0x74: {  	_ =	shalt  }
0x75: {  	_ =	shalt  }
0x76: {  	_ =	shalt  }
0x77: {  	_ =	shalt  }
0x78: {  	_ =	shalt  }
0x79: {  	_ =	shalt  }
0x7a: {  	_ =	shalt  }
0x7b: {  	_ =	shalt  }
0x7c: {  	_ =	shalt  }
0x7d: {  	_ =	shalt  }
0x7e: {  	_ =	shalt  }
0x7f: {  	_ =	shalt  }
0x80: {  	_ =	shalt  }
0x81: {  	_ =	shalt  }
0x82: {  	_ =	shalt  }
0x83: {  	_ =	shalt  }
0x84: {  	_ =	shalt  }
0x85: {  	_ =	shalt  }
0x86: {  	_ =	shalt  }
0x87: {  	_ =	shalt  }
.Lfunc_end0:
.L_simem_size_0:
called_computation_lowered:
.L_overlay_start_0:
0x88: {  	s2 =	sld [smem:$0x3FD9]  }
0x89: {  	s3 =	sld [smem:$0x3FFE];
	_ =	sdelay $0x1  }
0x8a: {  	s1 =	srdreg.scid  }
0x8b: {  	s0 =	sand.u32 $0x1, s1  }
0x8c: {  	s17 =	sshll.u32 s0, $0xA;
	s2 =	sadd.s32 s3, s2  }
0x8d: {  	s2 =	sadd.s32 s2, s17  }
0x8e: {  	[smem:$0x3FC3] =	sst s2  }
0x8f: {  	_ = 	snop  }
0x90: {  	s2 =	sld [smem:$0x3FC9]  }
0x91: {  	s18 =	sld [smem:$0x3FC8]  }
0x92: {  	s4 =	sld [smem:$0x3FC6]  }
0x93: {  	s5 =	sld [smem:$0x3FC5];
	(tm) =	ssettm $0x1  }
0x94: {  	s6 =	sld [smem:$0x3FFB];
	_ =	sdelay $0x3  }
0x95: {  	_ =	strace s6  }
0x96: {  	s6 =	sld [smem:$0x3FFC];
	_ =	sdelay $0x3  }
0x97: {  	_ =	strace s6  }
0x98: {  	s6 =	sld [smem:$0x3FFD];
	_ =	sdelay $0x3  }
0x99: {  	_ =	strace s6  }
0x9a: {  	_ =	strace $0x8FFFFFFF  }
0x9b: {  	s19 =	sld [smem:$0x3FDB];
	_ =	sdelay $0x1  }
0x9c: {  	s7 =	simm.s32 $_scs_section_size  }
0x9d: {  	s8 =	simm.s32 $_size__tile_overlayer_lowered;
	s9 =	simm.s32 $_tile_overlayer_lowered  }
0x9e: {  	s22 =	simm.s32 $0x1BFF;
	s21 =	sshll.u32 s9, $0x1;
	s6 =	sadd.s32 s7, s19  }
0x9f: {  	s10 =	simm.s32 $0x0;
	s20 =	sshll.u32 s8, $0x1;
	s8 =	sadd.s32 s21, s6  }
0xa0: {  	[timem:s10], [sflag:s22] =	dma.local [hbm:s8], s20  }
0xa1: {  	_ =	swait.ge [sflag:s22], s20  }
0xa2: {  	s7 =	ssub.s32 $0x0, s20;
	[sflag:s22] =	ssyncset.done $0x0  }
0xa3: {  	[sflag:s22] =	ssyncadd.s32 s7;
	_ =	sdelay $0x1  }
0xa4: {  	s23 =	simm.s32 $0x1B8B  }
0xa5: {  	_ =	swait.ge [sflag:s23], $0x1  }
0xa6: {  	[sflag:s23] =	ssyncset.done $0x0  }
0xa7: {  	s25 =	simm.s32 $0x1B8E;
	s24 =	sld [smem:$0x3FFE];
	[sflag:s23] =	ssyncadd.s32 $0xFFFFFFFF  }
0xa8: {  	s26 =	simm.s32 $execute0_lowered;
	[smem:$0x3FD2] =	sst s25  }
0xa9: {  	s8 =	sshll.u32 s26, $0x1;
	_ =	strace $0x80000046;
	[dreg:$0x1] =	wrdreg $0xFFFFFFFF  }
0xaa: {  	s28 =	simm.s32 $_size_execute0_lowered;
	s6 =	sadd.s32 s6, s8;
	[dreg:$0x0] =	wrdreg $0x0  }
0xab: {  	s8 =	sshll.u32 s28, $0x1;
	[dreg:$0x2] =	wrdreg s6  }
0xac: {  	[dreg:$0x3] =	wrdreg s8  }
0xad: {  	[dreg:$0x4] =	wrdreg $0xC0  }
0xae: {  	_ =	task [dreg:s10], $0x5FFFF  }
0xaf: {  	[dreg:$0x1] =	wrdreg $0xFFFFFFFF  }
0xb0: {  	[dreg:$0x0] =	wrdreg $0x60  }
0xb1: {  	[dreg:$0x2] =	wrdreg s4  }
0xb2: {  	[dreg:$0x3] =	wrdreg s5  }
0xb3: {  	[dreg:$0x4] =	wrdreg s24  }
0xb4: {  	[dreg:$0x5] =	wrdreg s18  }
0xb5: {  	[dreg:$0x6] =	wrdreg s2  }
0xb6: {  	[dreg:$0x7] =	wrdreg $0x9  }
0xb7: {  	_ =	task.clear_ibuf [dreg:s10], $0x8FFFF;
	_ =	strace $0x90000046  }
0xb8: {  	s29 =	simm.s32 $0x9;
	_ =	strace $0x80000048  }
0xb9: {  	_ =	swait.ge [sflag:s29], $0x1  }
0xba: {  	[sflag:s29] =	ssyncadd.s32 $0xFFFFFFFF  }
0xbb: {  	_ =	strace $0x90000048  }
0xbc: {  	_ =	sfence  }
0xbd: {  	s30 =	sld [smem:$0x0];
	_ =	sdelay $0x2  }
0xbe: {  	s31 =	sshll.u32 s1, $0xD;
	s1 =	sshrl.u32 s1, $0x2  }
0xbf: {  	s3 =	sand.u32 $0x4000, s31;
	s1 =	sadd.s32 s1, s30  }
0xc0: {  	s0 =	sor.u32 s3, s0;
	s1 =	sshll.u32 s1, $0x11  }
0xc1: {  	s0 =	sor.u32 s1, s0  }
0xc2: {  	s0 =	sadd.s32 $0x8F2B, s0  }
0xc3: {  	[sflag:s0] =	ssyncadd.remote.s32 $0x1  }
0xc4: {  	_ =	sfence.sel $0xFFFF  }
0xc5: {  	[dreg:$0x0] =	wrdreg $0xFFFFFFFF;
	(pc) =	sbr.abs _section_cstart, $3  }
0xc6: {  	[dreg:$0x1] =	wrdreg $0xFFFFFFFF  }
0xc7: {  	_ =	task.clear_ibuf [dreg:s10], $0x2FFFF;
	_ =	strace $0x9FFFFFFF  }
0xc8: {  	(tm) =	ssettm $0x7FFFFFFF  }
0xc9: {  	_ =	shalt  }
tec
execute0_lowered:
.L_overlay_start_1:
0x0: {  	(tag) =	ssettag $0x1  }
0x1: {  	s1 =	rddreg [dreg:$0x0]  }
0x2: {  	s2 =	rddreg [dreg:$0x1]  }
0x3: {  	s0 =	rddreg [dreg:$0x2]  }
0x4: {  	s3 =	rddreg [dreg:$0x3]  }
0x5: {  	s7 =	rddreg [dreg:$0x4]  }
0x6: {  	s5 =	srdreg.scid;
	s8 =	stileid.u32  }
0x7: {  	s4 =	simm.s32 $0x0;
	s15 =	simm.s32 $0x80;
	s18 =	simm.s32 $0xA000  }
0x8: {  	s19 =	simm.s32 $0x12000;
	s20 =	simm.s32 $0x1;
	s21 =	simm.s32 $0x3  }
0x9: {  	s22 =	simm.s32 $0x16000;
	s23 =	simm.s32 $0x17000;
	s24 =	simm.s32 $0x2  }
0xa: {  	s25 =	simm.s32 $0x4;
	s6 =	sand.u32 $0x1, s5;
	s29 =	sshll.u32 s8, $0x1  }
0xb: {  	s26 =	simm.s32 $0x16800;
	[smem:$0x7FF] =	sst s4;
	s8 =	sor.u32 s6, s29  }
0xc: {  	_ =	strace $0x80000047;
	s10 =	ssub.s32 $0x2, s6;
	s6 =	sadd.s32 $0x110A00, s0  }
0xd: {  	s5 =	sshll.u32 s8, $0xB;
	s30 =	sshrl.u32 s10, $0x1;
	s11 =	sshll.u32 s8, $0x9  }
.Ltmp0:
0xe: {  	s9 =	sadd.s32 s5, s0;
	s3 =	sadd.s32 s3, s11;
	(pc) =	sbr.rel .LBB2_1-.Ltmp0, $4  }
0xf: {  	s5 =	sadd.s32 $0x10A00, s0;
	s31 =	sadd.s32 s7, s11;
	[dreg:$0x7] =	wrdreg s3  }
0x10: {  	s0 =	ssub.s32 s10, s30;
	s9 =	sadd.s32 $0xA00, s9;
	[dreg:$0x8] =	wrdreg s31  }
0x11: {  	s28 =	simm.s32 $0x17800;
	s0 =	smax.u32 s0, $0x1;
	[dreg:$0x6] =	wrdreg s9  }
0x12: {  	s10 =	sshll.u32 s8, $0xF;
	s7 =	simm.s32 $0x0;
	[dreg:$0x9] =	wrdreg s0  }
.LBB2_8:
0x13: {  	s0 =	simm.s32 $0x5  }
0x14: {  	_ =	swait.ge [sflag:s0], $0x800  }
0x15: {  	[sflag:s0] =	ssyncset.done $0x0  }
0x16: {  	s29 =	simm.s32 $0x7;
	[sflag:s0] =	ssyncadd.s32 $0xFFFFF800  }
0x17: {  	_ =	swait.ge [sflag:s29], $0x800  }
0x18: {  	[sflag:s29] =	ssyncset.done $0x0  }
0x19: {  	s30 =	simm.s32 $0x6;
	[sflag:s29] =	ssyncadd.s32 $0xFFFFF800  }
0x1a: {  	_ =	swait.ge [sflag:s30], $0x800  }
0x1b: {  	[sflag:s30] =	ssyncset.done $0x0  }
0x1c: {  	s3 =	simm.s32 $0x8;
	[sflag:s30] =	ssyncadd.s32 $0xFFFFF800  }
0x1d: {  	_ =	swait.ge [sflag:s3], $0x800  }
0x1e: {  	s7 =	rddreg [dreg:$0xa]  }
0x1f: {  	s31 =	rddreg [dreg:$0x9];
	s7 =	sadd.s32 $0x1, s7  }
0x20: {  	p0 =	sne.s32 s7, s31  }
.Ltmp1:
0x21: {  	_ = 	snop;
	(pc) =	sbr.rel @!p0 .LBB2_9-.Ltmp1, $3  }
0x22: {  	_ =	sdelay $0x1  }
0x23: {  	[sflag:s3] =	ssyncset.done $0x0  }
0x24: {  	[sflag:s3] =	ssyncadd.s32 $0xFFFFF800  }
.LBB2_1:
0x25: {  	[dreg:$0xa] =	wrdreg s7  }
0x26: {  	s0 =	rddreg [dreg:$0x6];
	s3 =	simm.s32 $0x9  }
0x27: {  	[tilespmem:s4], [sflag:$0x9] =	stream.linear.gather [hbm4b:s0+s4], $0x4000, $0x38;
	[tilespmem:$0x18000] =	vst v63  }
0x28: {  	_ =	swait.ge [sflag:s3], $0x4000  }
0x29: {  	[sflag:s3] =	ssyncset.done $0x0  }
0x2a: {  	s16 =	simm.s32 $0x4000;
	s14 =	rddreg [dreg:$0x7];
	[sflag:s3] =	ssyncadd.s32 $0xFFFFC000  }
0x2b: {  	[tilespmem:s16], [sflag:$0x9] =	stream.linear.gather [hbm4b:s14+s4], $0x1000, $0x38;
	[tilespmem:$0x18000] =	vst v63  }
0x2c: {  	_ =	swait.ge [sflag:s3], $0x1000  }
0x2d: {  	[sflag:s3] =	ssyncset.done $0x0  }
0x2e: {  	s29 =	simm.s32 $0x5000;
	s17 =	rddreg [dreg:$0x8];
	[sflag:s3] =	ssyncadd.s32 $0xFFFFF000  }
0x2f: {  	[tilespmem:s29], [sflag:$0x9] =	stream.linear.gather [hbm4b:s17+s4], $0x1000, $0x38;
	[tilespmem:$0x18000] =	vst v63  }
0x30: {  	_ =	swait.ge [sflag:s3], $0x1000  }
0x31: {  	[sflag:s3] =	ssyncset.done $0x0  }
0x32: {  	s30 =	simm.s32 $0x6000;
	[sflag:s3] =	ssyncadd.s32 $0xFFFFF000  }
0x33: {  	[tilespmem:s30], [sflag:$0x1] =	stream.indirect.gather [hbm4b:s1+s15], $0x80, s4, s15, $0xb8;
	[tilespmem:$0x18000] =	vst v63  }
0x34: {  	s31 =	simm.s32 $0xE000  }
0x35: {  	[tilespmem:s31], [sflag:$0x3] =	stream.indirect.gather [hbm4b:s2+s15], $0x80, s4, s15, $0xb8;
	[tilespmem:$0x18000] =	vst v63  }
0x36: {  	_ = 	snop  }
0x37: {  	[tilespmem:s18], [sflag:$0x2] =	stream.indirect.gather [hbm4b:s1+s15], $0x80, s15, s15, $0xb8;
	[tilespmem:$0x18000] =	vst v63  }
0x38: {  	s13 =	simm.s32 $0x0  }
0x39: {  	[tilespmem:s19], [sflag:$0x4] =	stream.indirect.gather [hbm4b:s2+s15], $0x80, s15, s15, $0xb8;
	[tilespmem:$0x18000] =	vst v63  }
.LBB2_2:
0x3a: {  	_ =	swait.ge [sflag:s20], $0x4000  }
0x3b: {  	[sflag:s20] =	ssyncset.done $0x0  }
0x3c: {  	[sflag:s20] =	ssyncadd.s32 $0xFFFFC000  }
0x3d: {  	_ =	swait.ge [sflag:s21], $0x4000  }
0x3e: {  	s0 =	sshll.u32 s13, $0x6;
	[sflag:s21] =	ssyncset.done $0x0  }
0x3f: {  	s17 =	sand.u32 $0xF80, s0;
	[sflag:s21] =	ssyncadd.s32 $0xFFFFC000  }
0x40: {  	v0 =	vld [tilespmem:s17+$0x4000]  }
0x41: {  	v1 =	vld [tilespmem:s17+$0x4010]  }
0x42: {  	v2 =	vld [tilespmem:s17+$0x4020]  }
0x43: {  	s7 =	sor.u32 $0x40, s0;
	v3 =	vld [tilespmem:s17+$0x4030]  }
0x44: {  	s8 =	sor.u32 $0x50, s0;
	v4 =	vld [tilespmem:s7+$0x4000]  }
0x45: {  	s9 =	sor.u32 $0x60, s0;
	v5 =	vld [tilespmem:s8+$0x4000]  }
0x46: {  	s11 =	sor.u32 $0x70, s0;
	v6 =	vld [tilespmem:s9+$0x4000]  }
0x47: {  	v7 =	vld [tilespmem:s11+$0x4000]  }
0x48: {  	v8 =	vld [tilespmem:s17+$0x5000]  }
0x49: {  	v9 =	vld [tilespmem:s17+$0x5010]  }
0x4a: {  	v10 =	vld [tilespmem:s17+$0x5020]  }
0x4b: {  	v11 =	vld [tilespmem:s17+$0x5030]  }
0x4c: {  	v12 =	vld [tilespmem:s7+$0x5000]  }
0x4d: {  	v13 =	vld [tilespmem:s8+$0x5000]  }
0x4e: {  	s14 =	simm.s32 $0x6040;
	v14 =	vld [tilespmem:s9+$0x5000]  }
0x4f: {  	s16 =	simm.s32 $0xE040;
	v15 =	vld [tilespmem:s14+$0xFFFFFFD0]  }
0x50: {  	v16 =	vld [tilespmem:s16+$0xFFFFFFD0]  }
0x51: {  	v17 =	vld [tilespmem:s14+$0xFFFFFFC0]  }
0x52: {  	v18 =	vld [tilespmem:s16+$0xFFFFFFC0]  }
0x53: {  	v19 =	vld [tilespmem:s14+$0xFFFFFFE0]  }
0x54: {  	v20 =	vld [tilespmem:s16+$0xFFFFFFE0]  }
0x55: {  	v21 =	vld [tilespmem:s14+$0xFFFFFFF0]  }
0x56: {  	v22 =	vld [tilespmem:s16+$0xFFFFFFF0]  }
0x57: {  	v23 =	vld [tilespmem:s14+$0x0];
	v15 =	vmul.f32 v15, v1;
	v17 =	vmul.f32 v17, v0  }
0x58: {  	v59 =	vld [tilespmem:s14+$0x10];
	v16 =	vmul.f32 v16, v9;
	v18 =	vmul.f32 v18, v8  }
0x59: {  	v15 =	vadd.f32 v15, v17;
	v17 =	vmul.f32 v19, v2;
	v19 =	vld [tilespmem:s16+$0x0]  }
0x5a: {  	v60 =	vld [tilespmem:s16+$0x10];
	v16 =	vadd.f32 v16, v18;
	v18 =	vmul.f32 v20, v10  }
0x5b: {  	v61 =	vld [tilespmem:s14+$0x20];
	v15 =	vadd.f32 v17, v15;
	v17 =	vmul.f32 v21, v3  }
0x5c: {  	v24 =	vld [tilespmem:s16+$0x20];
	v16 =	vadd.f32 v18, v16;
	v18 =	vmul.f32 v22, v11  }
0x5d: {  	v62 =	vld [tilespmem:s16+$0x30];
	v23 =	vmul.f32 v23, v4;
	v17 =	vadd.f32 v17, v15  }
0x5e: {  	v16 =	vadd.f32 v18, v16;
	v18 =	vmul.f32 v19, v12;
	v19 =	vld [tilespmem:s14+$0x30]  }
0x5f: {  	v20 =	vmul.f32 v59, v5;
	v15 =	vld [tilespmem:s11+$0x5000];
	v17 =	vadd.f32 v23, v17  }
0x60: {  	v16 =	vadd.f32 v18, v16;
	v18 =	vmul.f32 v60, v13  }
0x61: {  	v63 =	vmul.f32 v61, v6;
	v17 =	vadd.f32 v20, v17  }
0x62: {  	v16 =	vadd.f32 v18, v16;
	v18 =	vmul.f32 v24, v14  }
0x63: {  	v17 =	vadd.f32 v63, v17;
	v19 =	vmul.f32 v19, v7  }
0x64: {  	v16 =	vadd.f32 v18, v16;
	v18 =	vmul.f32 v62, v15  }
0x65: {  	v17 =	vadd.f32 v19, v17  }
0x66: {  	s12 =	simm.s32 $0x0;
	s0 =	simm.s32 $0x40;
	v16 =	vadd.f32 v18, v16  }
0x67: {  	s29 =	sor.u32 $0x10, s17;
	s30 =	sor.u32 $0x20, s17;
	s31 =	sor.u32 $0x30, s17;
	[tilespmem:s12+$0x16000] =	vst v17  }
.LBB2_3:
0x68: {  	p0 =	sne.s32 s0, $0x1FC0;
	[tilespmem:s12+$0x17000] =	vst v16;
	s14 =	sadd.s32 $0x80, s14;
	s16 =	sadd.s32 $0x80, s16  }
0x69: {  	s12 =	smov.u32 s0;
	s0 =	sadd.s32 $0x40, s0;
	v16 =	vld [tilespmem:s14+$0xFFFFFFD0]  }
0x6a: {  	v17 =	vld [tilespmem:s16+$0xFFFFFFD0]  }
0x6b: {  	v18 =	vld [tilespmem:s14+$0xFFFFFFC0]  }
0x6c: {  	v19 =	vld [tilespmem:s16+$0xFFFFFFC0]  }
0x6d: {  	v20 =	vld [tilespmem:s14+$0xFFFFFFE0]  }
0x6e: {  	v16 =	vmul.f32 v16, v1;
	v21 =	vld [tilespmem:s16+$0xFFFFFFE0]  }
0x6f: {  	v17 =	vmul.f32 v17, v9;
	v22 =	vld [tilespmem:s14+$0xFFFFFFF0]  }
0x70: {  	v18 =	vmul.f32 v18, v0;
	v23 =	vld [tilespmem:s16+$0xFFFFFFF0]  }
0x71: {  	v19 =	vmul.f32 v19, v8;
	v24 =	vld [tilespmem:s14+$0x0]  }
0x72: {  	v16 =	vadd.f32 v16, v18;
	v18 =	vmul.f32 v20, v2;
	v20 =	vld [tilespmem:s16+$0x0]  }
0x73: {  	v17 =	vadd.f32 v17, v19;
	v19 =	vmul.f32 v21, v10;
	v21 =	vld [tilespmem:s14+$0x10]  }
0x74: {  	v16 =	vadd.f32 v18, v16;
	v18 =	vmul.f32 v22, v3;
	v22 =	vld [tilespmem:s16+$0x10]  }
0x75: {  	v17 =	vadd.f32 v19, v17;
	v19 =	vmul.f32 v23, v11;
	v23 =	vld [tilespmem:s14+$0x20]  }
0x76: {  	v16 =	vadd.f32 v18, v16;
	v18 =	vmul.f32 v24, v4;
	v24 =	vld [tilespmem:s16+$0x20]  }
0x77: {  	v17 =	vadd.f32 v19, v17;
	v19 =	vmul.f32 v20, v12;
	v20 =	vld [tilespmem:s14+$0x30]  }
0x78: {  	v16 =	vadd.f32 v18, v16;
	v18 =	vmul.f32 v21, v5;
	v21 =	vld [tilespmem:s16+$0x30]  }
0x79: {  	v17 =	vadd.f32 v19, v17;
	v19 =	vmul.f32 v22, v13  }
0x7a: {  	v16 =	vadd.f32 v18, v16;
	v18 =	vmul.f32 v23, v6  }
0x7b: {  	v17 =	vadd.f32 v19, v17;
	v19 =	vmul.f32 v24, v14  }
.Ltmp2:
0x7c: {  	v16 =	vadd.f32 v18, v16;
	v18 =	vmul.f32 v20, v7;
	(pc) =	sbr.rel @p0 .LBB2_3-.Ltmp2, $4  }
0x7d: {  	v17 =	vadd.f32 v19, v17;
	v19 =	vmul.f32 v21, v15  }
0x7e: {  	v18 =	vadd.f32 v18, v16  }
0x7f: {  	s12 =	sshra.s32 s12, $0x2;
	v16 =	vadd.f32 v19, v17  }
0x80: {  	[tilespmem:s12+$0x16000] =	vst v18  }
0x81: {  	p0 =	seq.s32 s13, $0x0  }
0x82: {  	[tilespmem:s12+$0x17000] =	vst v16;
	s0 =	simm.s32 @!p0 $0x5  }
0x83: {  	_ =	swait.ge @!p0 [sflag:s0], $0x800  }
0x84: {  	[sflag:s0] =	ssyncset.done @!p0 $0x0  }
0x85: {  	[sflag:s0] =	ssyncadd.s32 @!p0 $0xFFFFF800;
	s0 =	simm.s32 @!p0 $0x7  }
0x86: {  	s3 =	sshll.u32 s13, $0x9;
	_ =	swait.ge @!p0 [sflag:s0], $0x800  }
0x87: {  	s16 =	sadd.s32 s10, s3;
	[sflag:s0] =	ssyncset.done @!p0 $0x0  }
0x88: {  	s12 =	sadd.s32 s5, s16;
	[sflag:s0] =	ssyncadd.s32 @!p0 $0xFFFFF800  }
0x89: {  	[hbm4b:s12+s4] =	stream.linear.scatter [tilespmem:s22], [sflag:$0x5], $0x800, $0x38;
	[tilespmem:$0x18000] =	vst v63  }
0x8a: {  	s14 =	sadd.s32 s6, s16  }
0x8b: {  	[hbm4b:s14+s4] =	stream.linear.scatter [tilespmem:s23], [sflag:$0x7], $0x800, $0x38;
	[tilespmem:$0x18000] =	vst v63  }
0x8c: {  	p1 =	seq.s32 s13, $0x3F;
	s14 =	sshll.u32 s13, $0xA  }
0x8d: {  	s0 =	sshrl.u32 @!p1 s14, $0x2  }
0x8e: {  	s3 =	simm.s32 @!p1 $0x6000;
	s12 =	simm.s32 @!p1 $0x80;
	s0 =	sadd.s32 @!p1 $0x100, s0  }
0x8f: {  	[tilespmem:s3], [sflag:$0x1] =	stream.indirect.gather @!p1 [hbm4b:s1+s12], $0x80, s0, s12, $0xb8;
	[tilespmem:$0x18000] =	vst v63  }
0x90: {  	s3 =	simm.s32 @!p1 $0xE000  }
0x91: {  	[tilespmem:s3], [sflag:$0x3] =	stream.indirect.gather @!p1 [hbm4b:s2+s12], $0x80, s0, s12, $0xb8;
	[tilespmem:$0x18000] =	vst v63  }
0x92: {  	_ =	swait.ge [sflag:s24], $0x4000  }
0x93: {  	[sflag:s24] =	ssyncset.done $0x0  }
0x94: {  	[sflag:s24] =	ssyncadd.s32 $0xFFFFC000  }
0x95: {  	_ =	swait.ge [sflag:s25], $0x4000  }
0x96: {  	[sflag:s25] =	ssyncset.done $0x0  }
0x97: {  	[sflag:s25] =	ssyncadd.s32 $0xFFFFC000  }
0x98: {  	v11 =	vld [tilespmem:s17+$0x4000]  }
0x99: {  	v12 =	vld [tilespmem:s29+$0x4000]  }
0x9a: {  	v9 =	vld [tilespmem:s30+$0x4000]  }
0x9b: {  	v7 =	vld [tilespmem:s31+$0x4000]  }
0x9c: {  	v5 =	vld [tilespmem:s7+$0x4000]  }
0x9d: {  	v3 =	vld [tilespmem:s8+$0x4000]  }
0x9e: {  	v1 =	vld [tilespmem:s9+$0x4000]  }
0x9f: {  	v0 =	vld [tilespmem:s11+$0x4000]  }
0xa0: {  	v14 =	vld [tilespmem:s17+$0x5000]  }
0xa1: {  	v15 =	vld [tilespmem:s29+$0x5000]  }
0xa2: {  	v13 =	vld [tilespmem:s30+$0x5000]  }
0xa3: {  	v10 =	vld [tilespmem:s31+$0x5000]  }
0xa4: {  	v8 =	vld [tilespmem:s7+$0x5000]  }
0xa5: {  	v6 =	vld [tilespmem:s8+$0x5000]  }
0xa6: {  	v4 =	vld [tilespmem:s9+$0x5000]  }
0xa7: {  	v2 =	vld [tilespmem:s11+$0x5000];
	s31 =	simm.s32 $0x0  }
0xa8: {  	v16 =	vld [tilespmem:s31+$0x12000]  }
0xa9: {  	v17 =	vld [tilespmem:s31+$0xA000]  }
0xaa: {  	v18 =	vld [tilespmem:s31+$0xA010]  }
0xab: {  	v19 =	vld [tilespmem:s31+$0x12010]  }
0xac: {  	v20 =	vld [tilespmem:s31+$0xA020]  }
0xad: {  	v21 =	vld [tilespmem:s31+$0x12020]  }
0xae: {  	v22 =	vld [tilespmem:s31+$0xA030]  }
0xaf: {  	v23 =	vld [tilespmem:s31+$0x12030];
	v17 =	vmul.f32 v17, v11;
	v18 =	vmul.f32 v18, v12  }
0xb0: {  	v24 =	vld [tilespmem:s31+$0xA040];
	v16 =	vmul.f32 v16, v14;
	v19 =	vmul.f32 v19, v15  }
0xb1: {  	v17 =	vadd.f32 v18, v17;
	v18 =	vmul.f32 v20, v9;
	v20 =	vld [tilespmem:s31+$0x12040]  }
0xb2: {  	v59 =	vld [tilespmem:s31+$0xA050];
	v16 =	vadd.f32 v19, v16;
	v19 =	vmul.f32 v21, v13  }
0xb3: {  	v60 =	vld [tilespmem:s31+$0x12050];
	v17 =	vadd.f32 v18, v17;
	v18 =	vmul.f32 v22, v7  }
0xb4: {  	v61 =	vld [tilespmem:s31+$0xA060];
	v16 =	vadd.f32 v19, v16;
	v19 =	vmul.f32 v23, v10  }
0xb5: {  	v62 =	vld [tilespmem:s31+$0x12060];
	v17 =	vadd.f32 v18, v17;
	v18 =	vmul.f32 v24, v5  }
0xb6: {  	v16 =	vadd.f32 v19, v16;
	v19 =	vmul.f32 v20, v8;
	v20 =	vld [tilespmem:s31+$0xA070]  }
0xb7: {  	v63 =	vld [tilespmem:s31+$0x12070];
	v17 =	vadd.f32 v18, v17;
	v18 =	vmul.f32 v59, v3  }
0xb8: {  	v16 =	vadd.f32 v19, v16;
	v19 =	vmul.f32 v60, v6  }
0xb9: {  	v17 =	vadd.f32 v18, v17;
	v18 =	vmul.f32 v61, v1  }
0xba: {  	v16 =	vadd.f32 v19, v16;
	v19 =	vmul.f32 v62, v4  }
0xbb: {  	v17 =	vadd.f32 v18, v17;
	v18 =	vmul.f32 v20, v0  }
0xbc: {  	v16 =	vadd.f32 v19, v16;
	v19 =	vmul.f32 v63, v2  }
0xbd: {  	v17 =	vadd.f32 v18, v17  }
0xbe: {  	s7 =	simm.s32 $0x16800;
	v16 =	vadd.f32 v19, v16  }
0xbf: {  	s8 =	simm.s32 $0x17800;
	[tilespmem:s7+$0x0] =	vst v17  }
0xc0: {  	s9 =	simm.s32 $0x80;
	[tilespmem:s8+$0x0] =	vst v16  }
0xc1: {  	v16 =	vld [tilespmem:s9+$0x12000]  }
0xc2: {  	v17 =	vld [tilespmem:s9+$0xA000]  }
0xc3: {  	s0 =	simm.s32 $0x400;
	v18 =	vld [tilespmem:s9+$0xA010]  }
.LBB2_5:
0xc4: {  	p2 =	sne.s32 s0, $0xFE00;
	v19 =	vld [tilespmem:s9+$0x12010]  }
0xc5: {  	v20 =	vld [tilespmem:s9+$0xA020]  }
0xc6: {  	v21 =	vld [tilespmem:s9+$0x12020]  }
0xc7: {  	v22 =	vld [tilespmem:s9+$0xA030]  }
0xc8: {  	v17 =	vmul.f32 v17, v11;
	v18 =	vmul.f32 v18, v12;
	v23 =	vld [tilespmem:s9+$0x12030]  }
0xc9: {  	v16 =	vmul.f32 v16, v14;
	v19 =	vmul.f32 v19, v15;
	v24 =	vld [tilespmem:s9+$0xA040]  }
0xca: {  	v17 =	vadd.f32 v18, v17;
	v18 =	vmul.f32 v20, v9;
	v20 =	vld [tilespmem:s9+$0x12040]  }
0xcb: {  	v16 =	vadd.f32 v19, v16;
	v19 =	vmul.f32 v21, v13;
	v21 =	vld [tilespmem:s9+$0xA050]  }
0xcc: {  	v17 =	vadd.f32 v18, v17;
	v18 =	vmul.f32 v22, v7;
	v22 =	vld [tilespmem:s9+$0x12050]  }
0xcd: {  	v16 =	vadd.f32 v19, v16;
	v19 =	vmul.f32 v23, v10;
	v23 =	vld [tilespmem:s9+$0xA060]  }
0xce: {  	v17 =	vadd.f32 v18, v17;
	v18 =	vmul.f32 v24, v5;
	v24 =	vld [tilespmem:s9+$0x12060]  }
0xcf: {  	v16 =	vadd.f32 v19, v16;
	v19 =	vmul.f32 v20, v8;
	v20 =	vld [tilespmem:s9+$0xA070]  }
0xd0: {  	v17 =	vadd.f32 v18, v17;
	v18 =	vmul.f32 v21, v3;
	v21 =	vld [tilespmem:s9+$0x12070]  }
0xd1: {  	v16 =	vadd.f32 v19, v16;
	v19 =	vmul.f32 v22, v6  }
0xd2: {  	v17 =	vadd.f32 v18, v17;
	v18 =	vmul.f32 v23, v1  }
0xd3: {  	v16 =	vadd.f32 v19, v16;
	v19 =	vmul.f32 v24, v4  }
0xd4: {  	v17 =	vadd.f32 v18, v17;
	v18 =	vmul.f32 v20, v0  }
0xd5: {  	v16 =	vadd.f32 v19, v16;
	v19 =	vmul.f32 v21, v2  }
0xd6: {  	v17 =	vadd.f32 v18, v17  }
0xd7: {  	s7 =	sadd.s32 $0x10, s7;
	v16 =	vadd.f32 v19, v16  }
.Ltmp3:
0xd8: {  	s8 =	sadd.s32 $0x10, s8;
	[tilespmem:s7+$0x0] =	vst v17;
	(pc) =	sbr.rel @p2 .LBB2_5-.Ltmp3, $4  }
0xd9: {  	s9 =	sshra.s32 s0, $0x2;
	[tilespmem:s8+$0x0] =	vst v16  }
0xda: {  	v16 =	vld [tilespmem:s9+$0x12000]  }
0xdb: {  	v17 =	vld [tilespmem:s9+$0xA000]  }
0xdc: {  	s0 =	sadd.s32 $0x200, s0;
	v18 =	vld [tilespmem:s9+$0xA010]  }
0xdd: {  	v19 =	vld [tilespmem:s9+$0x12010]  }
0xde: {  	v20 =	vld [tilespmem:s9+$0xA020]  }
0xdf: {  	v21 =	vld [tilespmem:s9+$0x12020]  }
0xe0: {  	v22 =	vld [tilespmem:s9+$0xA030]  }
0xe1: {  	v52 =	vld [tilespmem:s9+$0x12030];
	v11 =	vmul.f32 v17, v11;
	v12 =	vmul.f32 v18, v12  }
0xe2: {  	v53 =	vld [tilespmem:s9+$0xA040];
	v14 =	vmul.f32 v16, v14;
	v15 =	vmul.f32 v19, v15  }
0xe3: {  	v54 =	vld [tilespmem:s9+$0x12040];
	v9 =	vmul.f32 v20, v9;
	v11 =	vadd.f32 v12, v11  }
0xe4: {  	v55 =	vld [tilespmem:s9+$0xA050];
	v13 =	vmul.f32 v21, v13;
	v14 =	vadd.f32 v15, v14  }
0xe5: {  	v56 =	vld [tilespmem:s9+$0x12050];
	v7 =	vmul.f32 v22, v7;
	v9 =	vadd.f32 v9, v11  }
0xe6: {  	v57 =	vld [tilespmem:s9+$0xA060];
	v10 =	vmul.f32 v52, v10;
	v13 =	vadd.f32 v13, v14  }
0xe7: {  	v58 =	vld [tilespmem:s9+$0x12060];
	v5 =	vmul.f32 v53, v5;
	v7 =	vadd.f32 v7, v9  }
0xe8: {  	v59 =	vld [tilespmem:s9+$0xA070];
	v8 =	vmul.f32 v54, v8;
	v10 =	vadd.f32 v10, v13  }
0xe9: {  	v60 =	vld [tilespmem:s9+$0x12070];
	v3 =	vmul.f32 v55, v3;
	v5 =	vadd.f32 v5, v7  }
0xea: {  	v6 =	vmul.f32 v56, v6;
	v8 =	vadd.f32 v8, v10  }
0xeb: {  	v1 =	vmul.f32 v57, v1;
	v3 =	vadd.f32 v3, v5  }
0xec: {  	v4 =	vmul.f32 v58, v4;
	v61 =	vadd.f32 v6, v8  }
0xed: {  	v0 =	vmul.f32 v59, v0;
	v1 =	vadd.f32 v1, v3  }
0xee: {  	v2 =	vmul.f32 v60, v2;
	v62 =	vadd.f32 v4, v61  }
0xef: {  	v0 =	vadd.f32 v0, v1  }
0xf0: {  	s0 =	sadd.s32 $0x10, s7;
	v63 =	vadd.f32 v2, v62  }
0xf1: {  	s29 =	sadd.s32 $0x10, s8;
	[tilespmem:s0+$0x0] =	vst v0  }
0xf2: {  	s0 =	simm.s32 @!p0 $0x6;
	[tilespmem:s29+$0x0] =	vst v63  }
0xf3: {  	_ =	swait.ge @!p0 [sflag:s0], $0x800  }
0xf4: {  	[sflag:s0] =	ssyncset.done @!p0 $0x0  }
0xf5: {  	[sflag:s0] =	ssyncadd.s32 @!p0 $0xFFFFF800;
	s0 =	simm.s32 @!p0 $0x8  }
0xf6: {  	_ =	swait.ge @!p0 [sflag:s0], $0x800  }
.Ltmp4:
0xf7: {  	s3 =	sor.u32 $0x100, s16;
	[sflag:s0] =	ssyncset.done @!p0 $0x0;
	(pc) =	sbr.rel @p1 .LBB2_8-.Ltmp4, $4  }
0xf8: {  	s30 =	sadd.s32 s5, s3;
	[sflag:s0] =	ssyncadd.s32 @!p0 $0xFFFFF800  }
0xf9: {  	[hbm4b:s30+s4] =	stream.linear.scatter [tilespmem:s26], [sflag:$0x6], $0x800, $0x38;
	[tilespmem:$0x18000] =	vst v63  }
0xfa: {  	s31 =	sadd.s32 s6, s3  }
0xfb: {  	[hbm4b:s31+s4] =	stream.linear.scatter [tilespmem:s28], [sflag:$0x8], $0x800, $0x38;
	[tilespmem:$0x18000] =	vst v63  }
.Ltmp5:
0xfc: {  	s0 =	sshrl.u32 s14, $0x2;
	(pc) =	sbr.rel .LBB2_2-.Ltmp5, $4  }
0xfd: {  	s0 =	sadd.s32 $0x180, s0  }
0xfe: {  	[tilespmem:s18], [sflag:$0x2] =	stream.indirect.gather [hbm4b:s1+s15], $0x80, s0, s15, $0xb8;
	[tilespmem:$0x18000] =	vst v63  }
0xff: {  	s13 =	sadd.s32 $0x1, s13  }
0x100: {  	[tilespmem:s19], [sflag:$0x4] =	stream.indirect.gather [hbm4b:s2+s15], $0x80, s0, s15, $0xb8;
	[tilespmem:$0x18000] =	vst v63  }
.LBB2_9:
0x101: {  	_ =	sfence.sel $0x180000  }
0x102: {  	[bflag:$0x0] =	sbarrier.arrive $0xFFFF  }
0x103: {  	_ =	strace $0x90000047  }
0x104: {  	s0 =	stileid.u32;
	[bflag:$0x2] =	sbarrier.arrive $0xFFFF  }
0x105: {  	p0 =	sne.s32 s0, $0x0;
	s0 =	rddreg [dreg:$0x5]  }
0x106: {  	s0 =	sadd.s32 @!p0 $0x100000, s0  }
0x107: {  	[sflag:s0] =	ssyncadd.tile.s32 @!p0 $0x1;
	_ =	shalt  }
.Lfunc_end2:
_tile_overlayer_lowered:
.L_overlay_start_2:
0x108: {  	(tag) =	ssettag $0x2  }
0x109: {  	s0 =	rddreg [dreg:$0x0];
	s2 =	stileid.u32  }
0x10a: {  	s1 =	rddreg [dreg:$0x1];
	p0 =	sne.s32 s2, $0x0  }
0x10b: {  	s3 =	rddreg [dreg:$0x2];
	[bflag:$0x3] =	sbarrier.arrive $0xFFFF;
	s2 =	simm.s32 @!p0 $0x1C09  }
0x10c: {  	[timem:s3], [sflag:s2] =	dma.local @!p0 [hbm:s0], s1  }
0x10d: {  	s0 =	simm.s32 @!p0 $0x9  }
0x10e: {  	_ =	swait.ge @!p0 [sflag:s0], s1  }
0x10f: {  	s1 =	ssub.s32 @!p0 $0x0, s1;
	[sflag:s0] =	ssyncset.done @!p0 $0x0  }
0x110: {  	[sflag:s0] =	ssyncadd.s32 @!p0 s1  }
0x111: {  	[bflag:$0x3] =	sbarrier.arrive $0xFFFF  }
0x112: {  	_ =	shalt  }

</sc_bundles>
